<compile_context>
chip_gen: v7x
topology: tpu7x:2x2x1
jax: 0.10.2.dev20260603
libtpu: 0.0.44.dev20260713+nightly
codegen_flags: <defaults>
</compile_context>

<pallas_src>
import functools

import jax
import jax.numpy as jnp
from jax import lax
from jax.experimental import pallas as pl
from jax.experimental.pallas import tpu as pltpu
from jax.experimental.pallas import tpu_sc as plsc

B = 4096
HIST = 50
D = 64
DP = 128
NCOLS = 6
ELEM = D * NCOLS

_INFO = plsc.get_sparse_core_info()
_NC = _INFO.num_cores
_NS = _INFO.num_subcores
_NW = _NC * _NS
_BPW = B // _NW
_CHUNK = 128
_NCHUNK = (_BPW * HIST) // _CHUNK
_NBUF = 5

_sc_mesh = plsc.VectorSubcoreMesh(core_axis_name="c", subcore_axis_name="s")


def _worker(base_unit):
    sid = lax.axis_index("s")
    wid = sid * _NC + lax.axis_index("c")
    return sid, wid, wid * base_unit


@functools.partial(
    pl.kernel,
    out_type=jax.ShapeDtypeStruct((B, DP), jnp.float32),
    mesh=_sc_mesh,
    scratch_types=[
        pltpu.VMEM((_NCHUNK, _CHUNK), jnp.int32),
        pltpu.VMEM((_NCHUNK, _CHUNK), jnp.int32),
        pltpu.VMEM((_NBUF, _CHUNK, DP), jnp.float32),
        pltpu.VMEM_SHARED((_NS * _BPW, DP), jnp.float32),
        pltpu.SemaphoreType.DMA,
    ] + [pltpu.SemaphoreType.DMA] * (2 * _NBUF),
    compiler_params=pltpu.CompilerParams(use_tc_tiling_on_sc=True),
)
def _sc_hist(hist_idx, seg_hbm, zeros_hbm, tabp, out_hist,
             hidx_v, seg_v, hbuf_v, acc_sh, sem_m, *sems):
    sid, wid, base = _worker(_BPW)
    acc_slot = acc_sh.at[pl.ds(sid * _BPW, _BPW)]
    sem_g = sems[:_NBUF]
    sem_s = sems[_NBUF:]

    stage = [pltpu.async_copy(hist_idx.at[wid], hidx_v, sem_m),
             pltpu.async_copy(seg_hbm.at[sid], seg_v, sem_m),
             pltpu.async_copy(zeros_hbm, acc_slot, sem_m)]
    for c in stage:
        c.wait()

    def h_gather(c, b):
        pltpu.async_copy(tabp.at[hidx_v.at[c]], hbuf_v.at[b], sem_g[b])

    def h_scatter(c, b):
        pltpu.async_copy(hbuf_v.at[b], acc_sh.at[seg_v.at[c]], sem_s[b],
                         add=True)

    def wait_gather(b):
        pltpu.make_async_copy(tabp.at[hidx_v.at[0]], hbuf_v.at[b],
                              sem_g[b]).wait()

    def wait_scatter(b):
        pltpu.make_async_copy(hbuf_v.at[b], acc_sh.at[seg_v.at[0]],
                              sem_s[b]).wait()

    for b in range(_NBUF):
        h_gather(b, b)

    def group(j, carry):
        for b in range(_NBUF):
            wait_gather(b)
            h_scatter(_NBUF * j + b, b)

        @pl.when(j < _NCHUNK // _NBUF - 1)
        def _():
            for b in range(_NBUF):
                wait_scatter(b)
                h_gather(_NBUF * (j + 1) + b, b)

        return carry

    lax.fori_loop(0, _NCHUNK // _NBUF, group, 0)
    for b in range(_NBUF):
        wait_scatter(b)
    pltpu.sync_copy(acc_slot, out_hist.at[pl.ds(base, _BPW)])


@functools.partial(
    pl.kernel,
    out_type=[jax.ShapeDtypeStruct((B, DP), jnp.float32) for _ in range(5)],
    mesh=_sc_mesh,
    scratch_types=[
        pltpu.VMEM((5, _BPW), jnp.int32),
        pltpu.VMEM((5, _BPW, DP), jnp.float32),
        pltpu.SemaphoreType.DMA,
        pltpu.SemaphoreType.DMA,
        pltpu.SemaphoreType.DMA,
    ],
    compiler_params=pltpu.CompilerParams(use_tc_tiling_on_sc=True),
)
def _sc_singles(idx_user, idx_item, idx_cate, idx_hour, idx_device,
                tab_user, tab_item, tab_cate, tab_hour, tab_device,
                out_user, out_item, out_cate, out_hour, out_device,
                fidx_v, frows_v, sem_m, sem_f, sem_o):
    _, _, base = _worker(_BPW)
    idxs = (idx_user, idx_item, idx_cate, idx_hour, idx_device)
    tabs = (tab_user, tab_item, tab_cate, tab_hour, tab_device)
    outs = (out_user, out_item, out_cate, out_hour, out_device)

    stage = [pltpu.async_copy(idx_hbm.at[pl.ds(base, _BPW)], fidx_v.at[k],
                              sem_m)
             for k, idx_hbm in enumerate(idxs)]
    for c in stage:
        c.wait()
    fg = [pltpu.async_copy(tabs[k].at[fidx_v.at[k]], frows_v.at[k], sem_f)
          for k in range(5)]
    for c in fg:
        c.wait()
    outw = [pltpu.async_copy(frows_v.at[k], out_hbm.at[pl.ds(base, _BPW)],
                             sem_o)
            for k, out_hbm in enumerate(outs)]
    for c in outw:
        c.wait()


def _mlp_body(eu, ei, ec, eh, ed, ehist, w1, b1, w2, b2, w3, b3, out):
    x = jnp.concatenate(
        [eu[:, :D], ei[:, :D], ec[:, :D], eh[:, :D], ed[:, :D],
         ehist[:, :D] * (1.0 / HIST)], axis=1)
    h = jax.nn.relu(jnp.dot(x, w1[...], preferred_element_type=jnp.float32)
                    + b1[...])
    h = jax.nn.relu(jnp.dot(h, w2[...], preferred_element_type=jnp.float32)
                    + b2[...])
    out[...] = jax.nn.sigmoid(
        jnp.dot(h, w3[...], preferred_element_type=jnp.float32) + b3[...])


def _mlp(feats, W1, b1, W2, b2, W3, b3):
    BB = 512
    grid = (B // BB,)
    feat_spec = pl.BlockSpec((BB, DP), lambda i: (i, 0))
    full = lambda shape: pl.BlockSpec(shape, lambda i: tuple(0 for _ in shape))
    return pl.pallas_call(
        _mlp_body,
        grid=grid,
        in_specs=[feat_spec] * 6 + [
            full((ELEM, ELEM)), full((1, ELEM)),
            full((ELEM, ELEM)), full((1, ELEM)),
            full((ELEM, 1)), full((1, 1)),
        ],
        out_specs=pl.BlockSpec((BB, 1), lambda i: (i, 0)),
        out_shape=jax.ShapeDtypeStruct((B, 1), jnp.float32),
    )(*feats, W1, b1.reshape(1, ELEM), W2, b2.reshape(1, ELEM),
      W3, b3.reshape(1, 1))


def kernel(idx_user, idx_item, idx_cate, idx_hour, idx_device, idx_hist,
           tab_user, tab_item, tab_cate, tab_hour, tab_device, tab_hist,
           W1, b1, W2, b2, W3, b3):
    i32 = lambda a: a.astype(jnp.int32)

    def pad(t):
        z = jnp.zeros((t.shape[0], DP - D), jnp.float32)
        return jnp.concatenate([t, z], axis=1)

    histp = pad(tab_hist)
    tab_user = lax.optimization_barrier((tab_user, histp))[0]
    userp, itemp, catep = pad(tab_user), pad(tab_item), pad(tab_cate)
    hourp, devp = pad(tab_hour), pad(tab_device)

    hist_idx = i32(idx_hist).reshape(_NW, _NCHUNK, _CHUNK)
    seg_local = (jnp.arange(_BPW * HIST, dtype=jnp.int32) // HIST).reshape(
        1, _NCHUNK, _CHUNK)
    seg = seg_local + (jnp.arange(_NS, dtype=jnp.int32) * _BPW).reshape(
        _NS, 1, 1)
    zeros = jnp.zeros((_BPW, DP), jnp.float32)

    ehist = _sc_hist(hist_idx, seg, zeros, histp)
    singles = _sc_singles(
        i32(idx_user), i32(idx_item), i32(idx_cate),
        i32(idx_hour), i32(idx_device),
        userp, itemp, catep, hourp, devp)
    return _mlp(list(singles) + [ehist], W1, b1, W2, b2, W3, b3)

# --- scband reference (transcript-rebuilt; emitter-appended) ---
"""Pipeline reference for scband-meta-model-75058848465622 (READ-ONLY COPY).

The authoritative reference and input builder live on the scoring server;
editing this copy changes nothing except your own understanding.
"""

import jax, jax.numpy as jnp
import numpy as np

B = 4096
HIST = 50
D = 64
VBIG = 100000
VSMALL = 1000
NCOLS = 6
ELEM = D * NCOLS


def _table(key, vocab, dim):
    t = jax.random.normal(key, (vocab, dim), dtype=jnp.float32) * 0.01
    return t.at[0].set(0.0)  # padding_idx=0


def setup_inputs(seed: int = 0):
    key = jax.random.key(seed)
    ks = jax.random.split(key, 20)
    inp = {}
    inp['idx_user'] = jax.random.randint(ks[0], (B,), 0, VBIG)
    inp['idx_item'] = jax.random.randint(ks[1], (B,), 0, VBIG)
    inp['idx_cate'] = jax.random.randint(ks[2], (B,), 0, VBIG)
    inp['idx_hour'] = jax.random.randint(ks[3], (B,), 0, VSMALL)
    inp['idx_device'] = jax.random.randint(ks[4], (B,), 0, VSMALL)
    inp['idx_hist'] = jax.random.randint(ks[5], (B, HIST), 0, VBIG)
    inp['tab_user'] = _table(ks[6], VBIG, D)
    inp['tab_item'] = _table(ks[7], VBIG, D)
    inp['tab_cate'] = _table(ks[8], VBIG, D)
    inp['tab_hour'] = _table(ks[9], VSMALL, D)
    inp['tab_device'] = _table(ks[10], VSMALL, D)
    inp['tab_hist'] = _table(ks[11], VBIG, D)
    inp['W1'] = jax.random.normal(ks[12], (ELEM, ELEM), dtype=jnp.float32) * (1.0 / np.sqrt(ELEM))
    inp['b1'] = jnp.zeros((ELEM,), dtype=jnp.float32)
    inp['W2'] = jax.random.normal(ks[13], (ELEM, ELEM), dtype=jnp.float32) * (1.0 / np.sqrt(ELEM))
    inp['b2'] = jnp.zeros((ELEM,), dtype=jnp.float32)
    inp['W3'] = jax.random.normal(ks[14], (ELEM, 1), dtype=jnp.float32) * (1.0 / np.sqrt(ELEM))
    inp['b3'] = jnp.zeros((1,), dtype=jnp.float32)
    return inp


def reference(idx_user, idx_item, idx_cate, idx_hour, idx_device, idx_hist,
              tab_user, tab_item, tab_cate, tab_hour, tab_device, tab_hist,
              W1, b1, W2, b2, W3, b3):
    # MetaModel.forward_DNN with warm=True, meta_id_emb=None: plain lookups
    e_user = jnp.take(tab_user, idx_user, axis=0)
    e_item = jnp.take(tab_item, idx_item, axis=0)
    e_cate = jnp.take(tab_cate, idx_cate, axis=0)
    e_hour = jnp.take(tab_hour, idx_hour, axis=0)
    e_dev = jnp.take(tab_device, idx_device, axis=0)
    # group column: [B, HIST, D] lookup then mean over sequence dim
    e_hist = jnp.take(tab_hist, idx_hist, axis=0).mean(axis=1)
    x = jnp.concatenate([e_user, e_item, e_cate, e_hour, e_dev, e_hist], axis=1)
    h = jax.nn.relu(x @ W1 + b1)
    h = jax.nn.relu(h @ W2 + b2)
    out = jax.nn.sigmoid(h @ W3 + b3)
    return out

if __name__ == "__main__":
    import jax
    _d = setup_inputs()
    print(jax.jit(kernel)(*tuple(_d.values())))

</pallas_src>

<mosaic_0001>
#map = affine_map<(d0, d1) -> (0, 0, 0)>
#map1 = affine_map<(d0, d1) -> (0, 0)>
module attributes {stable_mosaic.version = 14 : i64} {
  func.func @_sc_hist(%arg0: i32, %arg1: i32, %arg2: memref<32x50x128xi32, #tpu.memory_space<hbm>>, %arg3: memref<16x50x128xi32, #tpu.memory_space<hbm>>, %arg4: memref<128x128xf32, #tpu.memory_space<hbm>>, %arg5: memref<100000x128xf32, #tpu.memory_space<hbm>>, %arg6: memref<4096x128xf32, #tpu.memory_space<hbm>>, %arg7: memref<50x128xi32, #tpu.memory_space<vmem>>, %arg8: memref<50x128xi32, #tpu.memory_space<vmem>>, %arg9: memref<5x128x128xf32, #tpu.memory_space<vmem>>, %arg10: memref<2048x128xf32, #tpu.memory_space<vmem_shared>>, %arg11: memref<!tpu.dma_semaphore, #tpu.memory_space<semaphore_mem>>, %arg12: memref<!tpu.dma_semaphore, #tpu.memory_space<semaphore_mem>>, %arg13: memref<!tpu.dma_semaphore, #tpu.memory_space<semaphore_mem>>, %arg14: memref<!tpu.dma_semaphore, #tpu.memory_space<semaphore_mem>>, %arg15: memref<!tpu.dma_semaphore, #tpu.memory_space<semaphore_mem>>, %arg16: memref<!tpu.dma_semaphore, #tpu.memory_space<semaphore_mem>>, %arg17: memref<!tpu.dma_semaphore, #tpu.memory_space<semaphore_mem>>, %arg18: memref<!tpu.dma_semaphore, #tpu.memory_space<semaphore_mem>>, %arg19: memref<!tpu.dma_semaphore, #tpu.memory_space<semaphore_mem>>, %arg20: memref<!tpu.dma_semaphore, #tpu.memory_space<semaphore_mem>>, %arg21: memref<!tpu.dma_semaphore, #tpu.memory_space<semaphore_mem>>) attributes {dimension_semantics = [#tpu.dimension_semantics<core_parallel>, #tpu.dimension_semantics<subcore_parallel>], iteration_bounds = array<i64: 2, 16>, scalar_prefetch = 0 : i64, scratch_operands = 15 : i64, tpu.core_type = #tpu.core_type<sc_vector_subcore>, window_params = [{transform_indices = #map}, {transform_indices = #map}, {transform_indices = #map1}, {transform_indices = #map1}, {transform_indices = #map1}]} {
    %mul3A = arith.constant 2 : i32
    %mul3A_0 = arith.muli %arg1, %mul3A : i32
    %add3A = arith.addi %mul3A_0, %arg0 : i32
    %mul3A_1 = arith.constant 128 : i32
    %mul3A_2 = arith.muli %add3A, %mul3A_1 : i32
    %mul3A_3 = arith.constant 128 : i32
    %mul3A_4 = arith.muli %arg1, %mul3A_3 : i32
    %dma_start3A = arith.constant 0 : i32
    %dma_start3A_5 = arith.constant 0 : i32
    %dma_start3A_6 = tpu.memref_slice %arg2[%add3A, %dma_start3A, %dma_start3A_5] : memref<32x50x128xi32, #tpu.memory_space<hbm>> -> memref<1x50x128xi32, #tpu.memory_space<hbm>>
    %dma_start3A_7 = tpu.memref_squeeze %dma_start3A_6 : memref<1x50x128xi32, #tpu.memory_space<hbm>> -> memref<50x128xi32, #tpu.memory_space<hbm>>
    %dma_start3A_8 = arith.constant 0 : i32
    %dma_start3A_9 = arith.constant 0 : i32
    %dma_start3A_10 = tpu.memref_slice %arg2[%add3A, %dma_start3A_8, %dma_start3A_9] : memref<32x50x128xi32, #tpu.memory_space<hbm>> -> memref<1x50x128xi32, #tpu.memory_space<hbm>>
    %dma_start3A_11 = tpu.memref_squeeze %dma_start3A_10 : memref<1x50x128xi32, #tpu.memory_space<hbm>> -> memref<50x128xi32, #tpu.memory_space<hbm>>
    tpu.enqueue_dma source(%dma_start3A_11 : memref<50x128xi32, #tpu.memory_space<hbm>>) target(%arg7 : memref<50x128xi32, #tpu.memory_space<vmem>>) target_semaphore(%arg11 : memref<!tpu.dma_semaphore, #tpu.memory_space<semaphore_mem>>)
    %dma_start3A_12 = arith.constant 0 : i32
    %dma_start3A_13 = arith.constant 0 : i32
    %dma_start3A_14 = tpu.memref_slice %arg3[%arg1, %dma_start3A_12, %dma_start3A_13] : memref<16x50x128xi32, #tpu.memory_space<hbm>> -> memref<1x50x128xi32, #tpu.memory_space<hbm>>
    %dma_start3A_15 = tpu.memref_squeeze %dma_start3A_14 : memref<1x50x128xi32, #tpu.memory_space<hbm>> -> memref<50x128xi32, #tpu.memory_space<hbm>>
    %dma_start3A_16 = arith.constant 0 : i32
    %dma_start3A_17 = arith.constant 0 : i32
    %dma_start3A_18 = tpu.memref_slice %arg3[%arg1, %dma_start3A_16, %dma_start3A_17] : memref<16x50x128xi32, #tpu.memory_space<hbm>> -> memref<1x50x128xi32, #tpu.memory_space<hbm>>
    %dma_start3A_19 = tpu.memref_squeeze %dma_start3A_18 : memref<1x50x128xi32, #tpu.memory_space<hbm>> -> memref<50x128xi32, #tpu.memory_space<hbm>>
    tpu.enqueue_dma source(%dma_start3A_19 : memref<50x128xi32, #tpu.memory_space<hbm>>) target(%arg8 : memref<50x128xi32, #tpu.memory_space<vmem>>) target_semaphore(%arg11 : memref<!tpu.dma_semaphore, #tpu.memory_space<semaphore_mem>>)
    %dma_start3A_20 = arith.constant 0 : i32
    %dma_start3A_21 = tpu.memref_slice %arg10[%mul3A_4, %dma_start3A_20] : memref<2048x128xf32, #tpu.memory_space<vmem_shared>> -> memref<128x128xf32, #tpu.memory_space<vmem_shared>>
    tpu.enqueue_dma source(%arg4 : memref<128x128xf32, #tpu.memory_space<hbm>>) target(%dma_start3A_21 : memref<128x128xf32, #tpu.memory_space<vmem_shared>>) target_semaphore(%arg11 : memref<!tpu.dma_semaphore, #tpu.memory_space<semaphore_mem>>)
    %dma_wait3A = arith.constant 0 : i32
    %dma_wait3A_22 = arith.constant 0 : i32
    %dma_wait3A_23 = tpu.memref_slice %arg2[%add3A, %dma_wait3A, %dma_wait3A_22] : memref<32x50x128xi32, #tpu.memory_space<hbm>> -> memref<1x50x128xi32, #tpu.memory_space<hbm>>
    %dma_wait3A_24 = tpu.memref_squeeze %dma_wait3A_23 : memref<1x50x128xi32, #tpu.memory_space<hbm>> -> memref<50x128xi32, #tpu.memory_space<hbm>>
    %dma_wait3A_25 = arith.constant 0 : i32
    %dma_wait3A_26 = arith.constant 0 : i32
    %dma_wait3A_27 = tpu.memref_slice %arg2[%add3A, %dma_wait3A_25, %dma_wait3A_26] : memref<32x50x128xi32, #tpu.memory_space<hbm>> -> memref<1x50x128xi32, #tpu.memory_space<hbm>>
    %dma_wait3A_28 = tpu.memref_squeeze %dma_wait3A_27 : memref<1x50x128xi32, #tpu.memory_space<hbm>> -> memref<50x128xi32, #tpu.memory_space<hbm>>
    tpu.wait_dma2 semaphore(%arg11 : memref<!tpu.dma_semaphore, #tpu.memory_space<semaphore_mem>>) src(%dma_wait3A_28 : memref<50x128xi32, #tpu.memory_space<hbm>>) dst(%arg7 : memref<50x128xi32, #tpu.memory_space<vmem>>)
    %dma_wait3A_29 = arith.constant 0 : i32
    %dma_wait3A_30 = arith.constant 0 : i32
    %dma_wait3A_31 = tpu.memref_slice %arg3[%arg1, %dma_wait3A_29, %dma_wait3A_30] : memref<16x50x128xi32, #tpu.memory_space<hbm>> -> memref<1x50x128xi32, #tpu.memory_space<hbm>>
    %dma_wait3A_32 = tpu.memref_squeeze %dma_wait3A_31 : memref<1x50x128xi32, #tpu.memory_space<hbm>> -> memref<50x128xi32, #tpu.memory_space<hbm>>
    %dma_wait3A_33 = arith.constant 0 : i32
    %dma_wait3A_34 = arith.constant 0 : i32
    %dma_wait3A_35 = tpu.memref_slice %arg3[%arg1, %dma_wait3A_33, %dma_wait3A_34] : memref<16x50x128xi32, #tpu.memory_space<hbm>> -> memref<1x50x128xi32, #tpu.memory_space<hbm>>
    %dma_wait3A_36 = tpu.memref_squeeze %dma_wait3A_35 : memref<1x50x128xi32, #tpu.memory_space<hbm>> -> memref<50x128xi32, #tpu.memory_space<hbm>>
    tpu.wait_dma2 semaphore(%arg11 : memref<!tpu.dma_semaphore, #tpu.memory_space<semaphore_mem>>) src(%dma_wait3A_36 : memref<50x128xi32, #tpu.memory_space<hbm>>) dst(%arg8 : memref<50x128xi32, #tpu.memory_space<vmem>>)
    %dma_wait3A_37 = arith.constant 0 : i32
    %dma_wait3A_38 = tpu.memref_slice %arg10[%mul3A_4, %dma_wait3A_37] : memref<2048x128xf32, #tpu.memory_space<vmem_shared>> -> memref<128x128xf32, #tpu.memory_space<vmem_shared>>
    tpu.wait_dma2 semaphore(%arg11 : memref<!tpu.dma_semaphore, #tpu.memory_space<semaphore_mem>>) src(%arg4 : memref<128x128xf32, #tpu.memory_space<hbm>>) dst(%dma_wait3A_38 : memref<128x128xf32, #tpu.memory_space<vmem_shared>>)
    %dma_start3A_39 = arith.constant 0 : i32
    %dma_start3A_40 = arith.constant 0 : i32
    %dma_start3A_41 = arith.constant 0 : i32
    %dma_start3A_42 = arith.constant 0 : i32
    %dma_start3A_43 = tpu.memref_slice %arg9[%dma_start3A_40, %dma_start3A_41, %dma_start3A_42] : memref<5x128x128xf32, #tpu.memory_space<vmem>> -> memref<1x128x128xf32, #tpu.memory_space<vmem>>
    %dma_start3A_44 = tpu.memref_squeeze %dma_start3A_43 : memref<1x128x128xf32, #tpu.memory_space<vmem>> -> memref<128x128xf32, #tpu.memory_space<vmem>>
    %dma_start3A_45 = arith.constant 0 : i32
    %dma_start3A_46 = tpu.memref_slice %arg7[%dma_start3A_39, %dma_start3A_45] : memref<50x128xi32, #tpu.memory_space<vmem>> -> memref<1x128xi32, #tpu.memory_space<vmem>>
    %dma_start3A_47 = tpu.memref_squeeze %dma_start3A_46 : memref<1x128xi32, #tpu.memory_space<vmem>> -> memref<128xi32, #tpu.memory_space<vmem>>
    %dma_start3A_48 = arith.constant 0 : i32
    %dma_start3A_49 = arith.constant 0 : i32
    %dma_start3A_50 = tpu.memref_slice %arg5[%dma_start3A_48, %dma_start3A_49] : memref<100000x128xf32, #tpu.memory_space<hbm>> -> memref<100000x128xf32, #tpu.memory_space<hbm>>
    tpu.enqueue_indirect_dma source(%dma_start3A_50 : memref<100000x128xf32, #tpu.memory_space<hbm>>) target(%dma_start3A_44 : memref<128x128xf32, #tpu.memory_space<vmem>>) offsets(%dma_start3A_47 : memref<128xi32, #tpu.memory_space<vmem>>) semaphore(%arg12 : memref<!tpu.dma_semaphore, #tpu.memory_space<semaphore_mem>>)
    %dma_start3A_51 = arith.constant 1 : i32
    %dma_start3A_52 = arith.constant 1 : i32
    %dma_start3A_53 = arith.constant 0 : i32
    %dma_start3A_54 = arith.constant 0 : i32
    %dma_start3A_55 = tpu.memref_slice %arg9[%dma_start3A_52, %dma_start3A_53, %dma_start3A_54] : memref<5x128x128xf32, #tpu.memory_space<vmem>> -> memref<1x128x128xf32, #tpu.memory_space<vmem>>
    %dma_start3A_56 = tpu.memref_squeeze %dma_start3A_55 : memref<1x128x128xf32, #tpu.memory_space<vmem>> -> memref<128x128xf32, #tpu.memory_space<vmem>>
    %dma_start3A_57 = arith.constant 0 : i32
    %dma_start3A_58 = tpu.memref_slice %arg7[%dma_start3A_51, %dma_start3A_57] : memref<50x128xi32, #tpu.memory_space<vmem>> -> memref<1x128xi32, #tpu.memory_space<vmem>>
    %dma_start3A_59 = tpu.memref_squeeze %dma_start3A_58 : memref<1x128xi32, #tpu.memory_space<vmem>> -> memref<128xi32, #tpu.memory_space<vmem>>
    %dma_start3A_60 = arith.constant 0 : i32
    %dma_start3A_61 = arith.constant 0 : i32
    %dma_start3A_62 = tpu.memref_slice %arg5[%dma_start3A_60, %dma_start3A_61] : memref<100000x128xf32, #tpu.memory_space<hbm>> -> memref<100000x128xf32, #tpu.memory_space<hbm>>
    tpu.enqueue_indirect_dma source(%dma_start3A_62 : memref<100000x128xf32, #tpu.memory_space<hbm>>) target(%dma_start3A_56 : memref<128x128xf32, #tpu.memory_space<vmem>>) offsets(%dma_start3A_59 : memref<128xi32, #tpu.memory_space<vmem>>) semaphore(%arg13 : memref<!tpu.dma_semaphore, #tpu.memory_space<semaphore_mem>>)
    %dma_start3A_63 = arith.constant 2 : i32
    %dma_start3A_64 = arith.constant 2 : i32
    %dma_start3A_65 = arith.constant 0 : i32
    %dma_start3A_66 = arith.constant 0 : i32
    %dma_start3A_67 = tpu.memref_slice %arg9[%dma_start3A_64, %dma_start3A_65, %dma_start3A_66] : memref<5x128x128xf32, #tpu.memory_space<vmem>> -> memref<1x128x128xf32, #tpu.memory_space<vmem>>
    %dma_start3A_68 = tpu.memref_squeeze %dma_start3A_67 : memref<1x128x128xf32, #tpu.memory_space<vmem>> -> memref<128x128xf32, #tpu.memory_space<vmem>>
    %dma_start3A_69 = arith.constant 0 : i32
    %dma_start3A_70 = tpu.memref_slice %arg7[%dma_start3A_63, %dma_start3A_69] : memref<50x128xi32, #tpu.memory_space<vmem>> -> memref<1x128xi32, #tpu.memory_space<vmem>>
    %dma_start3A_71 = tpu.memref_squeeze %dma_start3A_70 : memref<1x128xi32, #tpu.memory_space<vmem>> -> memref<128xi32, #tpu.memory_space<vmem>>
    %dma_start3A_72 = arith.constant 0 : i32
    %dma_start3A_73 = arith.constant 0 : i32
    %dma_start3A_74 = tpu.memref_slice %arg5[%dma_start3A_72, %dma_start3A_73] : memref<100000x128xf32, #tpu.memory_space<hbm>> -> memref<100000x128xf32, #tpu.memory_space<hbm>>
    tpu.enqueue_indirect_dma source(%dma_start3A_74 : memref<100000x128xf32, #tpu.memory_space<hbm>>) target(%dma_start3A_68 : memref<128x128xf32, #tpu.memory_space<vmem>>) offsets(%dma_start3A_71 : memref<128xi32, #tpu.memory_space<vmem>>) semaphore(%arg14 : memref<!tpu.dma_semaphore, #tpu.memory_space<semaphore_mem>>)
    %dma_start3A_75 = arith.constant 3 : i32
    %dma_start3A_76 = arith.constant 3 : i32
    %dma_start3A_77 = arith.constant 0 : i32
    %dma_start3A_78 = arith.constant 0 : i32
    %dma_start3A_79 = tpu.memref_slice %arg9[%dma_start3A_76, %dma_start3A_77, %dma_start3A_78] : memref<5x128x128xf32, #tpu.memory_space<vmem>> -> memref<1x128x128xf32, #tpu.memory_space<vmem>>
    %dma_start3A_80 = tpu.memref_squeeze %dma_start3A_79 : memref<1x128x128xf32, #tpu.memory_space<vmem>> -> memref<128x128xf32, #tpu.memory_space<vmem>>
    %dma_start3A_81 = arith.constant 0 : i32
    %dma_start3A_82 = tpu.memref_slice %arg7[%dma_start3A_75, %dma_start3A_81] : memref<50x128xi32, #tpu.memory_space<vmem>> -> memref<1x128xi32, #tpu.memory_space<vmem>>
    %dma_start3A_83 = tpu.memref_squeeze %dma_start3A_82 : memref<1x128xi32, #tpu.memory_space<vmem>> -> memref<128xi32, #tpu.memory_space<vmem>>
    %dma_start3A_84 = arith.constant 0 : i32
    %dma_start3A_85 = arith.constant 0 : i32
    %dma_start3A_86 = tpu.memref_slice %arg5[%dma_start3A_84, %dma_start3A_85] : memref<100000x128xf32, #tpu.memory_space<hbm>> -> memref<100000x128xf32, #tpu.memory_space<hbm>>
    tpu.enqueue_indirect_dma source(%dma_start3A_86 : memref<100000x128xf32, #tpu.memory_space<hbm>>) target(%dma_start3A_80 : memref<128x128xf32, #tpu.memory_space<vmem>>) offsets(%dma_start3A_83 : memref<128xi32, #tpu.memory_space<vmem>>) semaphore(%arg15 : memref<!tpu.dma_semaphore, #tpu.memory_space<semaphore_mem>>)
    %dma_start3A_87 = arith.constant 4 : i32
    %dma_start3A_88 = arith.constant 4 : i32
    %dma_start3A_89 = arith.constant 0 : i32
    %dma_start3A_90 = arith.constant 0 : i32
    %dma_start3A_91 = tpu.memref_slice %arg9[%dma_start3A_88, %dma_start3A_89, %dma_start3A_90] : memref<5x128x128xf32, #tpu.memory_space<vmem>> -> memref<1x128x128xf32, #tpu.memory_space<vmem>>
    %dma_start3A_92 = tpu.memref_squeeze %dma_start3A_91 : memref<1x128x128xf32, #tpu.memory_space<vmem>> -> memref<128x128xf32, #tpu.memory_space<vmem>>
    %dma_start3A_93 = arith.constant 0 : i32
    %dma_start3A_94 = tpu.memref_slice %arg7[%dma_start3A_87, %dma_start3A_93] : memref<50x128xi32, #tpu.memory_space<vmem>> -> memref<1x128xi32, #tpu.memory_space<vmem>>
    %dma_start3A_95 = tpu.memref_squeeze %dma_start3A_94 : memref<1x128xi32, #tpu.memory_space<vmem>> -> memref<128xi32, #tpu.memory_space<vmem>>
    %dma_start3A_96 = arith.constant 0 : i32
    %dma_start3A_97 = arith.constant 0 : i32
    %dma_start3A_98 = tpu.memref_slice %arg5[%dma_start3A_96, %dma_start3A_97] : memref<100000x128xf32, #tpu.memory_space<hbm>> -> memref<100000x128xf32, #tpu.memory_space<hbm>>
    tpu.enqueue_indirect_dma source(%dma_start3A_98 : memref<100000x128xf32, #tpu.memory_space<hbm>>) target(%dma_start3A_92 : memref<128x128xf32, #tpu.memory_space<vmem>>) offsets(%dma_start3A_95 : memref<128xi32, #tpu.memory_space<vmem>>) semaphore(%arg16 : memref<!tpu.dma_semaphore, #tpu.memory_space<semaphore_mem>>)
    %scan3A = arith.constant 0 : i32
    %scan3A_99 = arith.constant 0 : i32
    %scan3A_100 = arith.constant 10 : i32
    %scan3A_101 = arith.addi %scan3A_99, %scan3A_100 : i32
    %scan3A_102 = arith.constant 1 : i32
    scf.for %scan3A_164 = %scan3A_99 to %scan3A_101 step %scan3A_102  : i32 {
      %dma_wait3A_165 = arith.constant 0 : i32
      %dma_wait3A_166 = arith.constant 0 : i32
      %dma_wait3A_167 = arith.constant 0 : i32
      %dma_wait3A_168 = arith.constant 0 : i32
      %dma_wait3A_169 = tpu.memref_slice %arg9[%dma_wait3A_166, %dma_wait3A_167, %dma_wait3A_168] : memref<5x128x128xf32, #tpu.memory_space<vmem>> -> memref<1x128x128xf32, #tpu.memory_space<vmem>>
      %dma_wait3A_170 = tpu.memref_squeeze %dma_wait3A_169 : memref<1x128x128xf32, #tpu.memory_space<vmem>> -> memref<128x128xf32, #tpu.memory_space<vmem>>
      %dma_wait3A_171 = arith.constant 0 : i32
      %dma_wait3A_172 = tpu.memref_slice %arg7[%dma_wait3A_165, %dma_wait3A_171] : memref<50x128xi32, #tpu.memory_space<vmem>> -> memref<1x128xi32, #tpu.memory_space<vmem>>
      %dma_wait3A_173 = tpu.memref_squeeze %dma_wait3A_172 : memref<1x128xi32, #tpu.memory_space<vmem>> -> memref<128xi32, #tpu.memory_space<vmem>>
      %dma_wait3A_174 = arith.constant 0 : i32
      %dma_wait3A_175 = arith.constant 0 : i32
      %dma_wait3A_176 = tpu.memref_slice %arg5[%dma_wait3A_174, %dma_wait3A_175] : memref<100000x128xf32, #tpu.memory_space<hbm>> -> memref<100000x128xf32, #tpu.memory_space<hbm>>
      tpu.wait_indirect_dma semaphore(%arg12 : memref<!tpu.dma_semaphore, #tpu.memory_space<semaphore_mem>>) src(%dma_wait3A_176 : memref<100000x128xf32, #tpu.memory_space<hbm>>) dst(%dma_wait3A_170 : memref<128x128xf32, #tpu.memory_space<vmem>>)
      %mul3A_177 = arith.constant 5 : i32
      %mul3A_178 = arith.muli %mul3A_177, %scan3A_164 : i32
      %add3A_179 = arith.constant 0 : i32
      %add3A_180 = arith.addi %mul3A_178, %add3A_179 : i32
      %dma_start3A_181 = arith.constant 0 : i32
      %dma_start3A_182 = arith.constant 0 : i32
      %dma_start3A_183 = arith.constant 0 : i32
      %dma_start3A_184 = tpu.memref_slice %arg9[%dma_start3A_181, %dma_start3A_182, %dma_start3A_183] : memref<5x128x128xf32, #tpu.memory_space<vmem>> -> memref<1x128x128xf32, #tpu.memory_space<vmem>>
      %dma_start3A_185 = tpu.memref_squeeze %dma_start3A_184 : memref<1x128x128xf32, #tpu.memory_space<vmem>> -> memref<128x128xf32, #tpu.memory_space<vmem>>
      %dma_start3A_186 = arith.constant 0 : i32
      %dma_start3A_187 = tpu.memref_slice %arg8[%add3A_180, %dma_start3A_186] : memref<50x128xi32, #tpu.memory_space<vmem>> -> memref<1x128xi32, #tpu.memory_space<vmem>>
      %dma_start3A_188 = tpu.memref_squeeze %dma_start3A_187 : memref<1x128xi32, #tpu.memory_space<vmem>> -> memref<128xi32, #tpu.memory_space<vmem>>
      %dma_start3A_189 = arith.constant 0 : i32
      %dma_start3A_190 = arith.constant 0 : i32
      %dma_start3A_191 = tpu.memref_slice %arg10[%dma_start3A_189, %dma_start3A_190] : memref<2048x128xf32, #tpu.memory_space<vmem_shared>> -> memref<2048x128xf32, #tpu.memory_space<vmem_shared>>
      tpu.enqueue_indirect_dma source(%dma_start3A_185 : memref<128x128xf32, #tpu.memory_space<vmem>>) target(%dma_start3A_191 : memref<2048x128xf32, #tpu.memory_space<vmem_shared>>) offsets(%dma_start3A_188 : memref<128xi32, #tpu.memory_space<vmem>>) semaphore(%arg17 : memref<!tpu.dma_semaphore, #tpu.memory_space<semaphore_mem>>) {add = true}
      %dma_wait3A_192 = arith.constant 0 : i32
      %dma_wait3A_193 = arith.constant 1 : i32
      %dma_wait3A_194 = arith.constant 0 : i32
      %dma_wait3A_195 = arith.constant 0 : i32
      %dma_wait3A_196 = tpu.memref_slice %arg9[%dma_wait3A_193, %dma_wait3A_194, %dma_wait3A_195] : memref<5x128x128xf32, #tpu.memory_space<vmem>> -> memref<1x128x128xf32, #tpu.memory_space<vmem>>
      %dma_wait3A_197 = tpu.memref_squeeze %dma_wait3A_196 : memref<1x128x128xf32, #tpu.memory_space<vmem>> -> memref<128x128xf32, #tpu.memory_space<vmem>>
      %dma_wait3A_198 = arith.constant 0 : i32
      %dma_wait3A_199 = tpu.memref_slice %arg7[%dma_wait3A_192, %dma_wait3A_198] : memref<50x128xi32, #tpu.memory_space<vmem>> -> memref<1x128xi32, #tpu.memory_space<vmem>>
      %dma_wait3A_200 = tpu.memref_squeeze %dma_wait3A_199 : memref<1x128xi32, #tpu.memory_space<vmem>> -> memref<128xi32, #tpu.memory_space<vmem>>
      %dma_wait3A_201 = arith.constant 0 : i32
      %dma_wait3A_202 = arith.constant 0 : i32
      %dma_wait3A_203 = tpu.memref_slice %arg5[%dma_wait3A_201, %dma_wait3A_202] : memref<100000x128xf32, #tpu.memory_space<hbm>> -> memref<100000x128xf32, #tpu.memory_space<hbm>>
      tpu.wait_indirect_dma semaphore(%arg13 : memref<!tpu.dma_semaphore, #tpu.memory_space<semaphore_mem>>) src(%dma_wait3A_203 : memref<100000x128xf32, #tpu.memory_space<hbm>>) dst(%dma_wait3A_197 : memref<128x128xf32, #tpu.memory_space<vmem>>)
      %mul3A_204 = arith.constant 5 : i32
      %mul3A_205 = arith.muli %mul3A_204, %scan3A_164 : i32
      %add3A_206 = arith.constant 1 : i32
      %add3A_207 = arith.addi %mul3A_205, %add3A_206 : i32
      %dma_start3A_208 = arith.constant 1 : i32
      %dma_start3A_209 = arith.constant 0 : i32
      %dma_start3A_210 = arith.constant 0 : i32
      %dma_start3A_211 = tpu.memref_slice %arg9[%dma_start3A_208, %dma_start3A_209, %dma_start3A_210] : memref<5x128x128xf32, #tpu.memory_space<vmem>> -> memref<1x128x128xf32, #tpu.memory_space<vmem>>
      %dma_start3A_212 = tpu.memref_squeeze %dma_start3A_211 : memref<1x128x128xf32, #tpu.memory_space<vmem>> -> memref<128x128xf32, #tpu.memory_space<vmem>>
      %dma_start3A_213 = arith.constant 0 : i32
      %dma_start3A_214 = tpu.memref_slice %arg8[%add3A_207, %dma_start3A_213] : memref<50x128xi32, #tpu.memory_space<vmem>> -> memref<1x128xi32, #tpu.memory_space<vmem>>
      %dma_start3A_215 = tpu.memref_squeeze %dma_start3A_214 : memref<1x128xi32, #tpu.memory_space<vmem>> -> memref<128xi32, #tpu.memory_space<vmem>>
      %dma_start3A_216 = arith.constant 0 : i32
      %dma_start3A_217 = arith.constant 0 : i32
      %dma_start3A_218 = tpu.memref_slice %arg10[%dma_start3A_216, %dma_start3A_217] : memref<2048x128xf32, #tpu.memory_space<vmem_shared>> -> memref<2048x128xf32, #tpu.memory_space<vmem_shared>>
      tpu.enqueue_indirect_dma source(%dma_start3A_212 : memref<128x128xf32, #tpu.memory_space<vmem>>) target(%dma_start3A_218 : memref<2048x128xf32, #tpu.memory_space<vmem_shared>>) offsets(%dma_start3A_215 : memref<128xi32, #tpu.memory_space<vmem>>) semaphore(%arg18 : memref<!tpu.dma_semaphore, #tpu.memory_space<semaphore_mem>>) {add = true}
      %dma_wait3A_219 = arith.constant 0 : i32
      %dma_wait3A_220 = arith.constant 2 : i32
      %dma_wait3A_221 = arith.constant 0 : i32
      %dma_wait3A_222 = arith.constant 0 : i32
      %dma_wait3A_223 = tpu.memref_slice %arg9[%dma_wait3A_220, %dma_wait3A_221, %dma_wait3A_222] : memref<5x128x128xf32, #tpu.memory_space<vmem>> -> memref<1x128x128xf32, #tpu.memory_space<vmem>>
      %dma_wait3A_224 = tpu.memref_squeeze %dma_wait3A_223 : memref<1x128x128xf32, #tpu.memory_space<vmem>> -> memref<128x128xf32, #tpu.memory_space<vmem>>
      %dma_wait3A_225 = arith.constant 0 : i32
      %dma_wait3A_226 = tpu.memref_slice %arg7[%dma_wait3A_219, %dma_wait3A_225] : memref<50x128xi32, #tpu.memory_space<vmem>> -> memref<1x128xi32, #tpu.memory_space<vmem>>
      %dma_wait3A_227 = tpu.memref_squeeze %dma_wait3A_226 : memref<1x128xi32, #tpu.memory_space<vmem>> -> memref<128xi32, #tpu.memory_space<vmem>>
      %dma_wait3A_228 = arith.constant 0 : i32
      %dma_wait3A_229 = arith.constant 0 : i32
      %dma_wait3A_230 = tpu.memref_slice %arg5[%dma_wait3A_228, %dma_wait3A_229] : memref<100000x128xf32, #tpu.memory_space<hbm>> -> memref<100000x128xf32, #tpu.memory_space<hbm>>
      tpu.wait_indirect_dma semaphore(%arg14 : memref<!tpu.dma_semaphore, #tpu.memory_space<semaphore_mem>>) src(%dma_wait3A_230 : memref<100000x128xf32, #tpu.memory_space<hbm>>) dst(%dma_wait3A_224 : memref<128x128xf32, #tpu.memory_space<vmem>>)
      %mul3A_231 = arith.constant 5 : i32
      %mul3A_232 = arith.muli %mul3A_231, %scan3A_164 : i32
      %add3A_233 = arith.constant 2 : i32
      %add3A_234 = arith.addi %mul3A_232, %add3A_233 : i32
      %dma_start3A_235 = arith.constant 2 : i32
      %dma_start3A_236 = arith.constant 0 : i32
      %dma_start3A_237 = arith.constant 0 : i32
      %dma_start3A_238 = tpu.memref_slice %arg9[%dma_start3A_235, %dma_start3A_236, %dma_start3A_237] : memref<5x128x128xf32, #tpu.memory_space<vmem>> -> memref<1x128x128xf32, #tpu.memory_space<vmem>>
      %dma_start3A_239 = tpu.memref_squeeze %dma_start3A_238 : memref<1x128x128xf32, #tpu.memory_space<vmem>> -> memref<128x128xf32, #tpu.memory_space<vmem>>
      %dma_start3A_240 = arith.constant 0 : i32
      %dma_start3A_241 = tpu.memref_slice %arg8[%add3A_234, %dma_start3A_240] : memref<50x128xi32, #tpu.memory_space<vmem>> -> memref<1x128xi32, #tpu.memory_space<vmem>>
      %dma_start3A_242 = tpu.memref_squeeze %dma_start3A_241 : memref<1x128xi32, #tpu.memory_space<vmem>> -> memref<128xi32, #tpu.memory_space<vmem>>
      %dma_start3A_243 = arith.constant 0 : i32
      %dma_start3A_244 = arith.constant 0 : i32
      %dma_start3A_245 = tpu.memref_slice %arg10[%dma_start3A_243, %dma_start3A_244] : memref<2048x128xf32, #tpu.memory_space<vmem_shared>> -> memref<2048x128xf32, #tpu.memory_space<vmem_shared>>
      tpu.enqueue_indirect_dma source(%dma_start3A_239 : memref<128x128xf32, #tpu.memory_space<vmem>>) target(%dma_start3A_245 : memref<2048x128xf32, #tpu.memory_space<vmem_shared>>) offsets(%dma_start3A_242 : memref<128xi32, #tpu.memory_space<vmem>>) semaphore(%arg19 : memref<!tpu.dma_semaphore, #tpu.memory_space<semaphore_mem>>) {add = true}
      %dma_wait3A_246 = arith.constant 0 : i32
      %dma_wait3A_247 = arith.constant 3 : i32
      %dma_wait3A_248 = arith.constant 0 : i32
      %dma_wait3A_249 = arith.constant 0 : i32
      %dma_wait3A_250 = tpu.memref_slice %arg9[%dma_wait3A_247, %dma_wait3A_248, %dma_wait3A_249] : memref<5x128x128xf32, #tpu.memory_space<vmem>> -> memref<1x128x128xf32, #tpu.memory_space<vmem>>
      %dma_wait3A_251 = tpu.memref_squeeze %dma_wait3A_250 : memref<1x128x128xf32, #tpu.memory_space<vmem>> -> memref<128x128xf32, #tpu.memory_space<vmem>>
      %dma_wait3A_252 = arith.constant 0 : i32
      %dma_wait3A_253 = tpu.memref_slice %arg7[%dma_wait3A_246, %dma_wait3A_252] : memref<50x128xi32, #tpu.memory_space<vmem>> -> memref<1x128xi32, #tpu.memory_space<vmem>>
      %dma_wait3A_254 = tpu.memref_squeeze %dma_wait3A_253 : memref<1x128xi32, #tpu.memory_space<vmem>> -> memref<128xi32, #tpu.memory_space<vmem>>
      %dma_wait3A_255 = arith.constant 0 : i32
      %dma_wait3A_256 = arith.constant 0 : i32
      %dma_wait3A_257 = tpu.memref_slice %arg5[%dma_wait3A_255, %dma_wait3A_256] : memref<100000x128xf32, #tpu.memory_space<hbm>> -> memref<100000x128xf32, #tpu.memory_space<hbm>>
      tpu.wait_indirect_dma semaphore(%arg15 : memref<!tpu.dma_semaphore, #tpu.memory_space<semaphore_mem>>) src(%dma_wait3A_257 : memref<100000x128xf32, #tpu.memory_space<hbm>>) dst(%dma_wait3A_251 : memref<128x128xf32, #tpu.memory_space<vmem>>)
      %mul3A_258 = arith.constant 5 : i32
      %mul3A_259 = arith.muli %mul3A_258, %scan3A_164 : i32
      %add3A_260 = arith.constant 3 : i32
      %add3A_261 = arith.addi %mul3A_259, %add3A_260 : i32
      %dma_start3A_262 = arith.constant 3 : i32
      %dma_start3A_263 = arith.constant 0 : i32
      %dma_start3A_264 = arith.constant 0 : i32
      %dma_start3A_265 = tpu.memref_slice %arg9[%dma_start3A_262, %dma_start3A_263, %dma_start3A_264] : memref<5x128x128xf32, #tpu.memory_space<vmem>> -> memref<1x128x128xf32, #tpu.memory_space<vmem>>
      %dma_start3A_266 = tpu.memref_squeeze %dma_start3A_265 : memref<1x128x128xf32, #tpu.memory_space<vmem>> -> memref<128x128xf32, #tpu.memory_space<vmem>>
      %dma_start3A_267 = arith.constant 0 : i32
      %dma_start3A_268 = tpu.memref_slice %arg8[%add3A_261, %dma_start3A_267] : memref<50x128xi32, #tpu.memory_space<vmem>> -> memref<1x128xi32, #tpu.memory_space<vmem>>
      %dma_start3A_269 = tpu.memref_squeeze %dma_start3A_268 : memref<1x128xi32, #tpu.memory_space<vmem>> -> memref<128xi32, #tpu.memory_space<vmem>>
      %dma_start3A_270 = arith.constant 0 : i32
      %dma_start3A_271 = arith.constant 0 : i32
      %dma_start3A_272 = tpu.memref_slice %arg10[%dma_start3A_270, %dma_start3A_271] : memref<2048x128xf32, #tpu.memory_space<vmem_shared>> -> memref<2048x128xf32, #tpu.memory_space<vmem_shared>>
      tpu.enqueue_indirect_dma source(%dma_start3A_266 : memref<128x128xf32, #tpu.memory_space<vmem>>) target(%dma_start3A_272 : memref<2048x128xf32, #tpu.memory_space<vmem_shared>>) offsets(%dma_start3A_269 : memref<128xi32, #tpu.memory_space<vmem>>) semaphore(%arg20 : memref<!tpu.dma_semaphore, #tpu.memory_space<semaphore_mem>>) {add = true}
      %dma_wait3A_273 = arith.constant 0 : i32
      %dma_wait3A_274 = arith.constant 4 : i32
      %dma_wait3A_275 = arith.constant 0 : i32
      %dma_wait3A_276 = arith.constant 0 : i32
      %dma_wait3A_277 = tpu.memref_slice %arg9[%dma_wait3A_274, %dma_wait3A_275, %dma_wait3A_276] : memref<5x128x128xf32, #tpu.memory_space<vmem>> -> memref<1x128x128xf32, #tpu.memory_space<vmem>>
      %dma_wait3A_278 = tpu.memref_squeeze %dma_wait3A_277 : memref<1x128x128xf32, #tpu.memory_space<vmem>> -> memref<128x128xf32, #tpu.memory_space<vmem>>
      %dma_wait3A_279 = arith.constant 0 : i32
      %dma_wait3A_280 = tpu.memref_slice %arg7[%dma_wait3A_273, %dma_wait3A_279] : memref<50x128xi32, #tpu.memory_space<vmem>> -> memref<1x128xi32, #tpu.memory_space<vmem>>
      %dma_wait3A_281 = tpu.memref_squeeze %dma_wait3A_280 : memref<1x128xi32, #tpu.memory_space<vmem>> -> memref<128xi32, #tpu.memory_space<vmem>>
      %dma_wait3A_282 = arith.constant 0 : i32
      %dma_wait3A_283 = arith.constant 0 : i32
      %dma_wait3A_284 = tpu.memref_slice %arg5[%dma_wait3A_282, %dma_wait3A_283] : memref<100000x128xf32, #tpu.memory_space<hbm>> -> memref<100000x128xf32, #tpu.memory_space<hbm>>
      tpu.wait_indirect_dma semaphore(%arg16 : memref<!tpu.dma_semaphore, #tpu.memory_space<semaphore_mem>>) src(%dma_wait3A_284 : memref<100000x128xf32, #tpu.memory_space<hbm>>) dst(%dma_wait3A_278 : memref<128x128xf32, #tpu.memory_space<vmem>>)
      %mul3A_285 = arith.constant 5 : i32
      %mul3A_286 = arith.muli %mul3A_285, %scan3A_164 : i32
      %add3A_287 = arith.constant 4 : i32
      %add3A_288 = arith.addi %mul3A_286, %add3A_287 : i32
      %dma_start3A_289 = arith.constant 4 : i32
      %dma_start3A_290 = arith.constant 0 : i32
      %dma_start3A_291 = arith.constant 0 : i32
      %dma_start3A_292 = tpu.memref_slice %arg9[%dma_start3A_289, %dma_start3A_290, %dma_start3A_291] : memref<5x128x128xf32, #tpu.memory_space<vmem>> -> memref<1x128x128xf32, #tpu.memory_space<vmem>>
      %dma_start3A_293 = tpu.memref_squeeze %dma_start3A_292 : memref<1x128x128xf32, #tpu.memory_space<vmem>> -> memref<128x128xf32, #tpu.memory_space<vmem>>
      %dma_start3A_294 = arith.constant 0 : i32
      %dma_start3A_295 = tpu.memref_slice %arg8[%add3A_288, %dma_start3A_294] : memref<50x128xi32, #tpu.memory_space<vmem>> -> memref<1x128xi32, #tpu.memory_space<vmem>>
      %dma_start3A_296 = tpu.memref_squeeze %dma_start3A_295 : memref<1x128xi32, #tpu.memory_space<vmem>> -> memref<128xi32, #tpu.memory_space<vmem>>
      %dma_start3A_297 = arith.constant 0 : i32
      %dma_start3A_298 = arith.constant 0 : i32
      %dma_start3A_299 = tpu.memref_slice %arg10[%dma_start3A_297, %dma_start3A_298] : memref<2048x128xf32, #tpu.memory_space<vmem_shared>> -> memref<2048x128xf32, #tpu.memory_space<vmem_shared>>
      tpu.enqueue_indirect_dma source(%dma_start3A_293 : memref<128x128xf32, #tpu.memory_space<vmem>>) target(%dma_start3A_299 : memref<2048x128xf32, #tpu.memory_space<vmem_shared>>) offsets(%dma_start3A_296 : memref<128xi32, #tpu.memory_space<vmem>>) semaphore(%arg21 : memref<!tpu.dma_semaphore, #tpu.memory_space<semaphore_mem>>) {add = true}
      %lt3A = arith.constant 9 : i32
      %lt3A_300 = arith.cmpi slt, %scan3A_164, %lt3A : i32
      %convert_element_type3A = arith.extui %lt3A_300 : i1 to i32
      %cond3A = arith.constant 0 : i32
      %cond3A_301 = arith.cmpi ne, %convert_element_type3A, %cond3A : i32
      scf.if %cond3A_301 {
        %dma_wait3A_302 = arith.constant 0 : i32
        %dma_wait3A_303 = arith.constant 0 : i32
        %dma_wait3A_304 = arith.constant 0 : i32
        %dma_wait3A_305 = arith.constant 0 : i32
        %dma_wait3A_306 = tpu.memref_slice %arg9[%dma_wait3A_302, %dma_wait3A_304, %dma_wait3A_305] : memref<5x128x128xf32, #tpu.memory_space<vmem>> -> memref<1x128x128xf32, #tpu.memory_space<vmem>>
        %dma_wait3A_307 = tpu.memref_squeeze %dma_wait3A_306 : memref<1x128x128xf32, #tpu.memory_space<vmem>> -> memref<128x128xf32, #tpu.memory_space<vmem>>
        %dma_wait3A_308 = arith.constant 0 : i32
        %dma_wait3A_309 = tpu.memref_slice %arg8[%dma_wait3A_303, %dma_wait3A_308] : memref<50x128xi32, #tpu.memory_space<vmem>> -> memref<1x128xi32, #tpu.memory_space<vmem>>
        %dma_wait3A_310 = tpu.memref_squeeze %dma_wait3A_309 : memref<1x128xi32, #tpu.memory_space<vmem>> -> memref<128xi32, #tpu.memory_space<vmem>>
        %dma_wait3A_311 = arith.constant 0 : i32
        %dma_wait3A_312 = arith.constant 0 : i32
        %dma_wait3A_313 = tpu.memref_slice %arg10[%dma_wait3A_311, %dma_wait3A_312] : memref<2048x128xf32, #tpu.memory_space<vmem_shared>> -> memref<2048x128xf32, #tpu.memory_space<vmem_shared>>
        tpu.wait_indirect_dma semaphore(%arg17 : memref<!tpu.dma_semaphore, #tpu.memory_space<semaphore_mem>>) src(%dma_wait3A_307 : memref<128x128xf32, #tpu.memory_space<vmem>>) dst(%dma_wait3A_313 : memref<2048x128xf32, #tpu.memory_space<vmem_shared>>)
        %add3A_314 = arith.constant 1 : i32
        %add3A_315 = arith.addi %scan3A_164, %add3A_314 : i32
        %mul3A_316 = arith.constant 5 : i32
        %mul3A_317 = arith.muli %mul3A_316, %add3A_315 : i32
        %add3A_318 = arith.constant 0 : i32
        %add3A_319 = arith.addi %mul3A_317, %add3A_318 : i32
        %dma_start3A_320 = arith.constant 0 : i32
        %dma_start3A_321 = arith.constant 0 : i32
        %dma_start3A_322 = arith.constant 0 : i32
        %dma_start3A_323 = tpu.memref_slice %arg9[%dma_start3A_320, %dma_start3A_321, %dma_start3A_322] : memref<5x128x128xf32, #tpu.memory_space<vmem>> -> memref<1x128x128xf32, #tpu.memory_space<vmem>>
        %dma_start3A_324 = tpu.memref_squeeze %dma_start3A_323 : memref<1x128x128xf32, #tpu.memory_space<vmem>> -> memref<128x128xf32, #tpu.memory_space<vmem>>
        %dma_start3A_325 = arith.constant 0 : i32
        %dma_start3A_326 = tpu.memref_slice %arg7[%add3A_319, %dma_start3A_325] : memref<50x128xi32, #tpu.memory_space<vmem>> -> memref<1x128xi32, #tpu.memory_space<vmem>>
        %dma_start3A_327 = tpu.memref_squeeze %dma_start3A_326 : memref<1x128xi32, #tpu.memory_space<vmem>> -> memref<128xi32, #tpu.memory_space<vmem>>
        %dma_start3A_328 = arith.constant 0 : i32
        %dma_start3A_329 = arith.constant 0 : i32
        %dma_start3A_330 = tpu.memref_slice %arg5[%dma_start3A_328, %dma_start3A_329] : memref<100000x128xf32, #tpu.memory_space<hbm>> -> memref<100000x128xf32, #tpu.memory_space<hbm>>
        tpu.enqueue_indirect_dma source(%dma_start3A_330 : memref<100000x128xf32, #tpu.memory_space<hbm>>) target(%dma_start3A_324 : memref<128x128xf32, #tpu.memory_space<vmem>>) offsets(%dma_start3A_327 : memref<128xi32, #tpu.memory_space<vmem>>) semaphore(%arg12 : memref<!tpu.dma_semaphore, #tpu.memory_space<semaphore_mem>>)
        %dma_wait3A_331 = arith.constant 1 : i32
        %dma_wait3A_332 = arith.constant 0 : i32
        %dma_wait3A_333 = arith.constant 0 : i32
        %dma_wait3A_334 = arith.constant 0 : i32
        %dma_wait3A_335 = tpu.memref_slice %arg9[%dma_wait3A_331, %dma_wait3A_333, %dma_wait3A_334] : memref<5x128x128xf32, #tpu.memory_space<vmem>> -> memref<1x128x128xf32, #tpu.memory_space<vmem>>
        %dma_wait3A_336 = tpu.memref_squeeze %dma_wait3A_335 : memref<1x128x128xf32, #tpu.memory_space<vmem>> -> memref<128x128xf32, #tpu.memory_space<vmem>>
        %dma_wait3A_337 = arith.constant 0 : i32
        %dma_wait3A_338 = tpu.memref_slice %arg8[%dma_wait3A_332, %dma_wait3A_337] : memref<50x128xi32, #tpu.memory_space<vmem>> -> memref<1x128xi32, #tpu.memory_space<vmem>>
        %dma_wait3A_339 = tpu.memref_squeeze %dma_wait3A_338 : memref<1x128xi32, #tpu.memory_space<vmem>> -> memref<128xi32, #tpu.memory_space<vmem>>
        %dma_wait3A_340 = arith.constant 0 : i32
        %dma_wait3A_341 = arith.constant 0 : i32
        %dma_wait3A_342 = tpu.memref_slice %arg10[%dma_wait3A_340, %dma_wait3A_341] : memref<2048x128xf32, #tpu.memory_space<vmem_shared>> -> memref<2048x128xf32, #tpu.memory_space<vmem_shared>>
        tpu.wait_indirect_dma semaphore(%arg18 : memref<!tpu.dma_semaphore, #tpu.memory_space<semaphore_mem>>) src(%dma_wait3A_336 : memref<128x128xf32, #tpu.memory_space<vmem>>) dst(%dma_wait3A_342 : memref<2048x128xf32, #tpu.memory_space<vmem_shared>>)
        %add3A_343 = arith.constant 1 : i32
        %add3A_344 = arith.addi %scan3A_164, %add3A_343 : i32
        %mul3A_345 = arith.constant 5 : i32
        %mul3A_346 = arith.muli %mul3A_345, %add3A_344 : i32
        %add3A_347 = arith.constant 1 : i32
        %add3A_348 = arith.addi %mul3A_346, %add3A_347 : i32
        %dma_start3A_349 = arith.constant 1 : i32
        %dma_start3A_350 = arith.constant 0 : i32
        %dma_start3A_351 = arith.constant 0 : i32
        %dma_start3A_352 = tpu.memref_slice %arg9[%dma_start3A_349, %dma_start3A_350, %dma_start3A_351] : memref<5x128x128xf32, #tpu.memory_space<vmem>> -> memref<1x128x128xf32, #tpu.memory_space<vmem>>
        %dma_start3A_353 = tpu.memref_squeeze %dma_start3A_352 : memref<1x128x128xf32, #tpu.memory_space<vmem>> -> memref<128x128xf32, #tpu.memory_space<vmem>>
        %dma_start3A_354 = arith.constant 0 : i32
        %dma_start3A_355 = tpu.memref_slice %arg7[%add3A_348, %dma_start3A_354] : memref<50x128xi32, #tpu.memory_space<vmem>> -> memref<1x128xi32, #tpu.memory_space<vmem>>
        %dma_start3A_356 = tpu.memref_squeeze %dma_start3A_355 : memref<1x128xi32, #tpu.memory_space<vmem>> -> memref<128xi32, #tpu.memory_space<vmem>>
        %dma_start3A_357 = arith.constant 0 : i32
        %dma_start3A_358 = arith.constant 0 : i32
        %dma_start3A_359 = tpu.memref_slice %arg5[%dma_start3A_357, %dma_start3A_358] : memref<100000x128xf32, #tpu.memory_space<hbm>> -> memref<100000x128xf32, #tpu.memory_space<hbm>>
        tpu.enqueue_indirect_dma source(%dma_start3A_359 : memref<100000x128xf32, #tpu.memory_space<hbm>>) target(%dma_start3A_353 : memref<128x128xf32, #tpu.memory_space<vmem>>) offsets(%dma_start3A_356 : memref<128xi32, #tpu.memory_space<vmem>>) semaphore(%arg13 : memref<!tpu.dma_semaphore, #tpu.memory_space<semaphore_mem>>)
        %dma_wait3A_360 = arith.constant 2 : i32
        %dma_wait3A_361 = arith.constant 0 : i32
        %dma_wait3A_362 = arith.constant 0 : i32
        %dma_wait3A_363 = arith.constant 0 : i32
        %dma_wait3A_364 = tpu.memref_slice %arg9[%dma_wait3A_360, %dma_wait3A_362, %dma_wait3A_363] : memref<5x128x128xf32, #tpu.memory_space<vmem>> -> memref<1x128x128xf32, #tpu.memory_space<vmem>>
        %dma_wait3A_365 = tpu.memref_squeeze %dma_wait3A_364 : memref<1x128x128xf32, #tpu.memory_space<vmem>> -> memref<128x128xf32, #tpu.memory_space<vmem>>
        %dma_wait3A_366 = arith.constant 0 : i32
        %dma_wait3A_367 = tpu.memref_slice %arg8[%dma_wait3A_361, %dma_wait3A_366] : memref<50x128xi32, #tpu.memory_space<vmem>> -> memref<1x128xi32, #tpu.memory_space<vmem>>
        %dma_wait3A_368 = tpu.memref_squeeze %dma_wait3A_367 : memref<1x128xi32, #tpu.memory_space<vmem>> -> memref<128xi32, #tpu.memory_space<vmem>>
        %dma_wait3A_369 = arith.constant 0 : i32
        %dma_wait3A_370 = arith.constant 0 : i32
        %dma_wait3A_371 = tpu.memref_slice %arg10[%dma_wait3A_369, %dma_wait3A_370] : memref<2048x128xf32, #tpu.memory_space<vmem_shared>> -> memref<2048x128xf32, #tpu.memory_space<vmem_shared>>
        tpu.wait_indirect_dma semaphore(%arg19 : memref<!tpu.dma_semaphore, #tpu.memory_space<semaphore_mem>>) src(%dma_wait3A_365 : memref<128x128xf32, #tpu.memory_space<vmem>>) dst(%dma_wait3A_371 : memref<2048x128xf32, #tpu.memory_space<vmem_shared>>)
        %add3A_372 = arith.constant 1 : i32
        %add3A_373 = arith.addi %scan3A_164, %add3A_372 : i32
        %mul3A_374 = arith.constant 5 : i32
        %mul3A_375 = arith.muli %mul3A_374, %add3A_373 : i32
        %add3A_376 = arith.constant 2 : i32
        %add3A_377 = arith.addi %mul3A_375, %add3A_376 : i32
        %dma_start3A_378 = arith.constant 2 : i32
        %dma_start3A_379 = arith.constant 0 : i32
        %dma_start3A_380 = arith.constant 0 : i32
        %dma_start3A_381 = tpu.memref_slice %arg9[%dma_start3A_378, %dma_start3A_379, %dma_start3A_380] : memref<5x128x128xf32, #tpu.memory_space<vmem>> -> memref<1x128x128xf32, #tpu.memory_space<vmem>>
        %dma_start3A_382 = tpu.memref_squeeze %dma_start3A_381 : memref<1x128x128xf32, #tpu.memory_space<vmem>> -> memref<128x128xf32, #tpu.memory_space<vmem>>
        %dma_start3A_383 = arith.constant 0 : i32
        %dma_start3A_384 = tpu.memref_slice %arg7[%add3A_377, %dma_start3A_383] : memref<50x128xi32, #tpu.memory_space<vmem>> -> memref<1x128xi32, #tpu.memory_space<vmem>>
        %dma_start3A_385 = tpu.memref_squeeze %dma_start3A_384 : memref<1x128xi32, #tpu.memory_space<vmem>> -> memref<128xi32, #tpu.memory_space<vmem>>
        %dma_start3A_386 = arith.constant 0 : i32
        %dma_start3A_387 = arith.constant 0 : i32
        %dma_start3A_388 = tpu.memref_slice %arg5[%dma_start3A_386, %dma_start3A_387] : memref<100000x128xf32, #tpu.memory_space<hbm>> -> memref<100000x128xf32, #tpu.memory_space<hbm>>
        tpu.enqueue_indirect_dma source(%dma_start3A_388 : memref<100000x128xf32, #tpu.memory_space<hbm>>) target(%dma_start3A_382 : memref<128x128xf32, #tpu.memory_space<vmem>>) offsets(%dma_start3A_385 : memref<128xi32, #tpu.memory_space<vmem>>) semaphore(%arg14 : memref<!tpu.dma_semaphore, #tpu.memory_space<semaphore_mem>>)
        %dma_wait3A_389 = arith.constant 3 : i32
        %dma_wait3A_390 = arith.constant 0 : i32
        %dma_wait3A_391 = arith.constant 0 : i32
        %dma_wait3A_392 = arith.constant 0 : i32
        %dma_wait3A_393 = tpu.memref_slice %arg9[%dma_wait3A_389, %dma_wait3A_391, %dma_wait3A_392] : memref<5x128x128xf32, #tpu.memory_space<vmem>> -> memref<1x128x128xf32, #tpu.memory_space<vmem>>
        %dma_wait3A_394 = tpu.memref_squeeze %dma_wait3A_393 : memref<1x128x128xf32, #tpu.memory_space<vmem>> -> memref<128x128xf32, #tpu.memory_space<vmem>>
        %dma_wait3A_395 = arith.constant 0 : i32
        %dma_wait3A_396 = tpu.memref_slice %arg8[%dma_wait3A_390, %dma_wait3A_395] : memref<50x128xi32, #tpu.memory_space<vmem>> -> memref<1x128xi32, #tpu.memory_space<vmem>>
        %dma_wait3A_397 = tpu.memref_squeeze %dma_wait3A_396 : memref<1x128xi32, #tpu.memory_space<vmem>> -> memref<128xi32, #tpu.memory_space<vmem>>
        %dma_wait3A_398 = arith.constant 0 : i32
        %dma_wait3A_399 = arith.constant 0 : i32
        %dma_wait3A_400 = tpu.memref_slice %arg10[%dma_wait3A_398, %dma_wait3A_399] : memref<2048x128xf32, #tpu.memory_space<vmem_shared>> -> memref<2048x128xf32, #tpu.memory_space<vmem_shared>>
        tpu.wait_indirect_dma semaphore(%arg20 : memref<!tpu.dma_semaphore, #tpu.memory_space<semaphore_mem>>) src(%dma_wait3A_394 : memref<128x128xf32, #tpu.memory_space<vmem>>) dst(%dma_wait3A_400 : memref<2048x128xf32, #tpu.memory_space<vmem_shared>>)
        %add3A_401 = arith.constant 1 : i32
        %add3A_402 = arith.addi %scan3A_164, %add3A_401 : i32
        %mul3A_403 = arith.constant 5 : i32
        %mul3A_404 = arith.muli %mul3A_403, %add3A_402 : i32
        %add3A_405 = arith.constant 3 : i32
        %add3A_406 = arith.addi %mul3A_404, %add3A_405 : i32
        %dma_start3A_407 = arith.constant 3 : i32
        %dma_start3A_408 = arith.constant 0 : i32
        %dma_start3A_409 = arith.constant 0 : i32
        %dma_start3A_410 = tpu.memref_slice %arg9[%dma_start3A_407, %dma_start3A_408, %dma_start3A_409] : memref<5x128x128xf32, #tpu.memory_space<vmem>> -> memref<1x128x128xf32, #tpu.memory_space<vmem>>
        %dma_start3A_411 = tpu.memref_squeeze %dma_start3A_410 : memref<1x128x128xf32, #tpu.memory_space<vmem>> -> memref<128x128xf32, #tpu.memory_space<vmem>>
        %dma_start3A_412 = arith.constant 0 : i32
        %dma_start3A_413 = tpu.memref_slice %arg7[%add3A_406, %dma_start3A_412] : memref<50x128xi32, #tpu.memory_space<vmem>> -> memref<1x128xi32, #tpu.memory_space<vmem>>
        %dma_start3A_414 = tpu.memref_squeeze %dma_start3A_413 : memref<1x128xi32, #tpu.memory_space<vmem>> -> memref<128xi32, #tpu.memory_space<vmem>>
        %dma_start3A_415 = arith.constant 0 : i32
        %dma_start3A_416 = arith.constant 0 : i32
        %dma_start3A_417 = tpu.memref_slice %arg5[%dma_start3A_415, %dma_start3A_416] : memref<100000x128xf32, #tpu.memory_space<hbm>> -> memref<100000x128xf32, #tpu.memory_space<hbm>>
        tpu.enqueue_indirect_dma source(%dma_start3A_417 : memref<100000x128xf32, #tpu.memory_space<hbm>>) target(%dma_start3A_411 : memref<128x128xf32, #tpu.memory_space<vmem>>) offsets(%dma_start3A_414 : memref<128xi32, #tpu.memory_space<vmem>>) semaphore(%arg15 : memref<!tpu.dma_semaphore, #tpu.memory_space<semaphore_mem>>)
        %dma_wait3A_418 = arith.constant 4 : i32
        %dma_wait3A_419 = arith.constant 0 : i32
        %dma_wait3A_420 = arith.constant 0 : i32
        %dma_wait3A_421 = arith.constant 0 : i32
        %dma_wait3A_422 = tpu.memref_slice %arg9[%dma_wait3A_418, %dma_wait3A_420, %dma_wait3A_421] : memref<5x128x128xf32, #tpu.memory_space<vmem>> -> memref<1x128x128xf32, #tpu.memory_space<vmem>>
        %dma_wait3A_423 = tpu.memref_squeeze %dma_wait3A_422 : memref<1x128x128xf32, #tpu.memory_space<vmem>> -> memref<128x128xf32, #tpu.memory_space<vmem>>
        %dma_wait3A_424 = arith.constant 0 : i32
        %dma_wait3A_425 = tpu.memref_slice %arg8[%dma_wait3A_419, %dma_wait3A_424] : memref<50x128xi32, #tpu.memory_space<vmem>> -> memref<1x128xi32, #tpu.memory_space<vmem>>
        %dma_wait3A_426 = tpu.memref_squeeze %dma_wait3A_425 : memref<1x128xi32, #tpu.memory_space<vmem>> -> memref<128xi32, #tpu.memory_space<vmem>>
        %dma_wait3A_427 = arith.constant 0 : i32
        %dma_wait3A_428 = arith.constant 0 : i32
        %dma_wait3A_429 = tpu.memref_slice %arg10[%dma_wait3A_427, %dma_wait3A_428] : memref<2048x128xf32, #tpu.memory_space<vmem_shared>> -> memref<2048x128xf32, #tpu.memory_space<vmem_shared>>
        tpu.wait_indirect_dma semaphore(%arg21 : memref<!tpu.dma_semaphore, #tpu.memory_space<semaphore_mem>>) src(%dma_wait3A_423 : memref<128x128xf32, #tpu.memory_space<vmem>>) dst(%dma_wait3A_429 : memref<2048x128xf32, #tpu.memory_space<vmem_shared>>)
        %add3A_430 = arith.constant 1 : i32
        %add3A_431 = arith.addi %scan3A_164, %add3A_430 : i32
        %mul3A_432 = arith.constant 5 : i32
        %mul3A_433 = arith.muli %mul3A_432, %add3A_431 : i32
        %add3A_434 = arith.constant 4 : i32
        %add3A_435 = arith.addi %mul3A_433, %add3A_434 : i32
        %dma_start3A_436 = arith.constant 4 : i32
        %dma_start3A_437 = arith.constant 0 : i32
        %dma_start3A_438 = arith.constant 0 : i32
        %dma_start3A_439 = tpu.memref_slice %arg9[%dma_start3A_436, %dma_start3A_437, %dma_start3A_438] : memref<5x128x128xf32, #tpu.memory_space<vmem>> -> memref<1x128x128xf32, #tpu.memory_space<vmem>>
        %dma_start3A_440 = tpu.memref_squeeze %dma_start3A_439 : memref<1x128x128xf32, #tpu.memory_space<vmem>> -> memref<128x128xf32, #tpu.memory_space<vmem>>
        %dma_start3A_441 = arith.constant 0 : i32
        %dma_start3A_442 = tpu.memref_slice %arg7[%add3A_435, %dma_start3A_441] : memref<50x128xi32, #tpu.memory_space<vmem>> -> memref<1x128xi32, #tpu.memory_space<vmem>>
        %dma_start3A_443 = tpu.memref_squeeze %dma_start3A_442 : memref<1x128xi32, #tpu.memory_space<vmem>> -> memref<128xi32, #tpu.memory_space<vmem>>
        %dma_start3A_444 = arith.constant 0 : i32
        %dma_start3A_445 = arith.constant 0 : i32
        %dma_start3A_446 = tpu.memref_slice %arg5[%dma_start3A_444, %dma_start3A_445] : memref<100000x128xf32, #tpu.memory_space<hbm>> -> memref<100000x128xf32, #tpu.memory_space<hbm>>
        tpu.enqueue_indirect_dma source(%dma_start3A_446 : memref<100000x128xf32, #tpu.memory_space<hbm>>) target(%dma_start3A_440 : memref<128x128xf32, #tpu.memory_space<vmem>>) offsets(%dma_start3A_443 : memref<128xi32, #tpu.memory_space<vmem>>) semaphore(%arg16 : memref<!tpu.dma_semaphore, #tpu.memory_space<semaphore_mem>>)
      } else {
      }
    }
    %scan3A_103 = arith.constant 10 : i32
    %dma_wait3A_104 = arith.constant 0 : i32
    %dma_wait3A_105 = arith.constant 0 : i32
    %dma_wait3A_106 = arith.constant 0 : i32
    %dma_wait3A_107 = arith.constant 0 : i32
    %dma_wait3A_108 = tpu.memref_slice %arg9[%dma_wait3A_104, %dma_wait3A_106, %dma_wait3A_107] : memref<5x128x128xf32, #tpu.memory_space<vmem>> -> memref<1x128x128xf32, #tpu.memory_space<vmem>>
    %dma_wait3A_109 = tpu.memref_squeeze %dma_wait3A_108 : memref<1x128x128xf32, #tpu.memory_space<vmem>> -> memref<128x128xf32, #tpu.memory_space<vmem>>
    %dma_wait3A_110 = arith.constant 0 : i32
    %dma_wait3A_111 = tpu.memref_slice %arg8[%dma_wait3A_105, %dma_wait3A_110] : memref<50x128xi32, #tpu.memory_space<vmem>> -> memref<1x128xi32, #tpu.memory_space<vmem>>
    %dma_wait3A_112 = tpu.memref_squeeze %dma_wait3A_111 : memref<1x128xi32, #tpu.memory_space<vmem>> -> memref<128xi32, #tpu.memory_space<vmem>>
    %dma_wait3A_113 = arith.constant 0 : i32
    %dma_wait3A_114 = arith.constant 0 : i32
    %dma_wait3A_115 = tpu.memref_slice %arg10[%dma_wait3A_113, %dma_wait3A_114] : memref<2048x128xf32, #tpu.memory_space<vmem_shared>> -> memref<2048x128xf32, #tpu.memory_space<vmem_shared>>
    tpu.wait_indirect_dma semaphore(%arg17 : memref<!tpu.dma_semaphore, #tpu.memory_space<semaphore_mem>>) src(%dma_wait3A_109 : memref<128x128xf32, #tpu.memory_space<vmem>>) dst(%dma_wait3A_115 : memref<2048x128xf32, #tpu.memory_space<vmem_shared>>)
    %dma_wait3A_116 = arith.constant 1 : i32
    %dma_wait3A_117 = arith.constant 0 : i32
    %dma_wait3A_118 = arith.constant 0 : i32
    %dma_wait3A_119 = arith.constant 0 : i32
    %dma_wait3A_120 = tpu.memref_slice %arg9[%dma_wait3A_116, %dma_wait3A_118, %dma_wait3A_119] : memref<5x128x128xf32, #tpu.memory_space<vmem>> -> memref<1x128x128xf32, #tpu.memory_space<vmem>>
    %dma_wait3A_121 = tpu.memref_squeeze %dma_wait3A_120 : memref<1x128x128xf32, #tpu.memory_space<vmem>> -> memref<128x128xf32, #tpu.memory_space<vmem>>
    %dma_wait3A_122 = arith.constant 0 : i32
    %dma_wait3A_123 = tpu.memref_slice %arg8[%dma_wait3A_117, %dma_wait3A_122] : memref<50x128xi32, #tpu.memory_space<vmem>> -> memref<1x128xi32, #tpu.memory_space<vmem>>
    %dma_wait3A_124 = tpu.memref_squeeze %dma_wait3A_123 : memref<1x128xi32, #tpu.memory_space<vmem>> -> memref<128xi32, #tpu.memory_space<vmem>>
    %dma_wait3A_125 = arith.constant 0 : i32
    %dma_wait3A_126 = arith.constant 0 : i32
    %dma_wait3A_127 = tpu.memref_slice %arg10[%dma_wait3A_125, %dma_wait3A_126] : memref<2048x128xf32, #tpu.memory_space<vmem_shared>> -> memref<2048x128xf32, #tpu.memory_space<vmem_shared>>
    tpu.wait_indirect_dma semaphore(%arg18 : memref<!tpu.dma_semaphore, #tpu.memory_space<semaphore_mem>>) src(%dma_wait3A_121 : memref<128x128xf32, #tpu.memory_space<vmem>>) dst(%dma_wait3A_127 : memref<2048x128xf32, #tpu.memory_space<vmem_shared>>)
    %dma_wait3A_128 = arith.constant 2 : i32
    %dma_wait3A_129 = arith.constant 0 : i32
    %dma_wait3A_130 = arith.constant 0 : i32
    %dma_wait3A_131 = arith.constant 0 : i32
    %dma_wait3A_132 = tpu.memref_slice %arg9[%dma_wait3A_128, %dma_wait3A_130, %dma_wait3A_131] : memref<5x128x128xf32, #tpu.memory_space<vmem>> -> memref<1x128x128xf32, #tpu.memory_space<vmem>>
    %dma_wait3A_133 = tpu.memref_squeeze %dma_wait3A_132 : memref<1x128x128xf32, #tpu.memory_space<vmem>> -> memref<128x128xf32, #tpu.memory_space<vmem>>
    %dma_wait3A_134 = arith.constant 0 : i32
    %dma_wait3A_135 = tpu.memref_slice %arg8[%dma_wait3A_129, %dma_wait3A_134] : memref<50x128xi32, #tpu.memory_space<vmem>> -> memref<1x128xi32, #tpu.memory_space<vmem>>
    %dma_wait3A_136 = tpu.memref_squeeze %dma_wait3A_135 : memref<1x128xi32, #tpu.memory_space<vmem>> -> memref<128xi32, #tpu.memory_space<vmem>>
    %dma_wait3A_137 = arith.constant 0 : i32
    %dma_wait3A_138 = arith.constant 0 : i32
    %dma_wait3A_139 = tpu.memref_slice %arg10[%dma_wait3A_137, %dma_wait3A_138] : memref<2048x128xf32, #tpu.memory_space<vmem_shared>> -> memref<2048x128xf32, #tpu.memory_space<vmem_shared>>
    tpu.wait_indirect_dma semaphore(%arg19 : memref<!tpu.dma_semaphore, #tpu.memory_space<semaphore_mem>>) src(%dma_wait3A_133 : memref<128x128xf32, #tpu.memory_space<vmem>>) dst(%dma_wait3A_139 : memref<2048x128xf32, #tpu.memory_space<vmem_shared>>)
    %dma_wait3A_140 = arith.constant 3 : i32
    %dma_wait3A_141 = arith.constant 0 : i32
    %dma_wait3A_142 = arith.constant 0 : i32
    %dma_wait3A_143 = arith.constant 0 : i32
    %dma_wait3A_144 = tpu.memref_slice %arg9[%dma_wait3A_140, %dma_wait3A_142, %dma_wait3A_143] : memref<5x128x128xf32, #tpu.memory_space<vmem>> -> memref<1x128x128xf32, #tpu.memory_space<vmem>>
    %dma_wait3A_145 = tpu.memref_squeeze %dma_wait3A_144 : memref<1x128x128xf32, #tpu.memory_space<vmem>> -> memref<128x128xf32, #tpu.memory_space<vmem>>
    %dma_wait3A_146 = arith.constant 0 : i32
    %dma_wait3A_147 = tpu.memref_slice %arg8[%dma_wait3A_141, %dma_wait3A_146] : memref<50x128xi32, #tpu.memory_space<vmem>> -> memref<1x128xi32, #tpu.memory_space<vmem>>
    %dma_wait3A_148 = tpu.memref_squeeze %dma_wait3A_147 : memref<1x128xi32, #tpu.memory_space<vmem>> -> memref<128xi32, #tpu.memory_space<vmem>>
    %dma_wait3A_149 = arith.constant 0 : i32
    %dma_wait3A_150 = arith.constant 0 : i32
    %dma_wait3A_151 = tpu.memref_slice %arg10[%dma_wait3A_149, %dma_wait3A_150] : memref<2048x128xf32, #tpu.memory_space<vmem_shared>> -> memref<2048x128xf32, #tpu.memory_space<vmem_shared>>
    tpu.wait_indirect_dma semaphore(%arg20 : memref<!tpu.dma_semaphore, #tpu.memory_space<semaphore_mem>>) src(%dma_wait3A_145 : memref<128x128xf32, #tpu.memory_space<vmem>>) dst(%dma_wait3A_151 : memref<2048x128xf32, #tpu.memory_space<vmem_shared>>)
    %dma_wait3A_152 = arith.constant 4 : i32
    %dma_wait3A_153 = arith.constant 0 : i32
    %dma_wait3A_154 = arith.constant 0 : i32
    %dma_wait3A_155 = arith.constant 0 : i32
    %dma_wait3A_156 = tpu.memref_slice %arg9[%dma_wait3A_152, %dma_wait3A_154, %dma_wait3A_155] : memref<5x128x128xf32, #tpu.memory_space<vmem>> -> memref<1x128x128xf32, #tpu.memory_space<vmem>>
    %dma_wait3A_157 = tpu.memref_squeeze %dma_wait3A_156 : memref<1x128x128xf32, #tpu.memory_space<vmem>> -> memref<128x128xf32, #tpu.memory_space<vmem>>
    %dma_wait3A_158 = arith.constant 0 : i32
    %dma_wait3A_159 = tpu.memref_slice %arg8[%dma_wait3A_153, %dma_wait3A_158] : memref<50x128xi32, #tpu.memory_space<vmem>> -> memref<1x128xi32, #tpu.memory_space<vmem>>
    %dma_wait3A_160 = tpu.memref_squeeze %dma_wait3A_159 : memref<1x128xi32, #tpu.memory_space<vmem>> -> memref<128xi32, #tpu.memory_space<vmem>>
    %dma_wait3A_161 = arith.constant 0 : i32
    %dma_wait3A_162 = arith.constant 0 : i32
    %dma_wait3A_163 = tpu.memref_slice %arg10[%dma_wait3A_161, %dma_wait3A_162] : memref<2048x128xf32, #tpu.memory_space<vmem_shared>> -> memref<2048x128xf32, #tpu.memory_space<vmem_shared>>
    tpu.wait_indirect_dma semaphore(%arg21 : memref<!tpu.dma_semaphore, #tpu.memory_space<semaphore_mem>>) src(%dma_wait3A_157 : memref<128x128xf32, #tpu.memory_space<vmem>>) dst(%dma_wait3A_163 : memref<2048x128xf32, #tpu.memory_space<vmem_shared>>)
    "tpu.region"() ({
      %run_scoped3A = tpu.sem_alloc : memref<!tpu.dma_semaphore, #tpu.memory_space<semaphore_mem>>
      %dma_start3A_164 = arith.constant 0 : i32
      %dma_start3A_165 = tpu.memref_slice %arg6[%mul3A_2, %dma_start3A_164] : memref<4096x128xf32, #tpu.memory_space<hbm>> -> memref<128x128xf32, #tpu.memory_space<hbm>>
      %dma_start3A_166 = arith.constant 0 : i32
      %dma_start3A_167 = tpu.memref_slice %arg10[%mul3A_4, %dma_start3A_166] : memref<2048x128xf32, #tpu.memory_space<vmem_shared>> -> memref<128x128xf32, #tpu.memory_space<vmem_shared>>
      tpu.enqueue_dma source(%dma_start3A_167 : memref<128x128xf32, #tpu.memory_space<vmem_shared>>) target(%dma_start3A_165 : memref<128x128xf32, #tpu.memory_space<hbm>>) target_semaphore(%run_scoped3A : memref<!tpu.dma_semaphore, #tpu.memory_space<semaphore_mem>>)
      %dma_wait3A_168 = arith.constant 0 : i32
      %dma_wait3A_169 = tpu.memref_slice %arg6[%mul3A_2, %dma_wait3A_168] : memref<4096x128xf32, #tpu.memory_space<hbm>> -> memref<128x128xf32, #tpu.memory_space<hbm>>
      %dma_wait3A_170 = arith.constant 0 : i32
      %dma_wait3A_171 = tpu.memref_slice %arg10[%mul3A_4, %dma_wait3A_170] : memref<2048x128xf32, #tpu.memory_space<vmem_shared>> -> memref<128x128xf32, #tpu.memory_space<vmem_shared>>
      tpu.wait_dma2 semaphore(%run_scoped3A : memref<!tpu.dma_semaphore, #tpu.memory_space<semaphore_mem>>) src(%dma_wait3A_171 : memref<128x128xf32, #tpu.memory_space<vmem_shared>>) dst(%dma_wait3A_169 : memref<128x128xf32, #tpu.memory_space<hbm>>)
      tpu.yield
    }) : () -> ()
    return
  }
}

#map = affine_map<(d0, d1) -> (0)>
#map1 = affine_map<(d0, d1) -> (0, 0)>
module attributes {stable_mosaic.version = 14 : i64} {
  func.func @_sc_singles(%arg0: i32, %arg1: i32, %arg2: memref<4096xi32, #tpu.memory_space<hbm>>, %arg3: memref<4096xi32, #tpu.memory_space<hbm>>, %arg4: memref<4096xi32, #tpu.memory_space<hbm>>, %arg5: memref<4096xi32, #tpu.memory_space<hbm>>, %arg6: memref<4096xi32, #tpu.memory_space<hbm>>, %arg7: memref<100000x128xf32, #tpu.memory_space<hbm>>, %arg8: memref<100000x128xf32, #tpu.memory_space<hbm>>, %arg9: memref<100000x128xf32, #tpu.memory_space<hbm>>, %arg10: memref<1000x128xf32, #tpu.memory_space<hbm>>, %arg11: memref<1000x128xf32, #tpu.memory_space<hbm>>, %arg12: memref<4096x128xf32, #tpu.memory_space<hbm>>, %arg13: memref<4096x128xf32, #tpu.memory_space<hbm>>, %arg14: memref<4096x128xf32, #tpu.memory_space<hbm>>, %arg15: memref<4096x128xf32, #tpu.memory_space<hbm>>, %arg16: memref<4096x128xf32, #tpu.memory_space<hbm>>, %arg17: memref<5x128xi32, #tpu.memory_space<vmem>>, %arg18: memref<5x128x128xf32, #tpu.memory_space<vmem>>, %arg19: memref<!tpu.dma_semaphore, #tpu.memory_space<semaphore_mem>>, %arg20: memref<!tpu.dma_semaphore, #tpu.memory_space<semaphore_mem>>, %arg21: memref<!tpu.dma_semaphore, #tpu.memory_space<semaphore_mem>>) attributes {dimension_semantics = [#tpu.dimension_semantics<core_parallel>, #tpu.dimension_semantics<subcore_parallel>], iteration_bounds = array<i64: 2, 16>, scalar_prefetch = 0 : i64, scratch_operands = 5 : i64, tpu.core_type = #tpu.core_type<sc_vector_subcore>, window_params = [{transform_indices = #map}, {transform_indices = #map}, {transform_indices = #map}, {transform_indices = #map}, {transform_indices = #map}, {transform_indices = #map1}, {transform_indices = #map1}, {transform_indices = #map1}, {transform_indices = #map1}, {transform_indices = #map1}, {transform_indices = #map1}, {transform_indices = #map1}, {transform_indices = #map1}, {transform_indices = #map1}, {transform_indices = #map1}]} {
    %mul3A = arith.constant 2 : i32
    %mul3A_0 = arith.muli %arg1, %mul3A : i32
    %add3A = arith.addi %mul3A_0, %arg0 : i32
    %mul3A_1 = arith.constant 128 : i32
    %mul3A_2 = arith.muli %add3A, %mul3A_1 : i32
    %dma_start3A = arith.constant 0 : i32
    %dma_start3A_3 = arith.constant 0 : i32
    %dma_start3A_4 = tpu.memref_slice %arg17[%dma_start3A, %dma_start3A_3] : memref<5x128xi32, #tpu.memory_space<vmem>> -> memref<1x128xi32, #tpu.memory_space<vmem>>
    %dma_start3A_5 = tpu.memref_squeeze %dma_start3A_4 : memref<1x128xi32, #tpu.memory_space<vmem>> -> memref<128xi32, #tpu.memory_space<vmem>>
    %dma_start3A_6 = tpu.memref_slice %arg2[%mul3A_2] : memref<4096xi32, #tpu.memory_space<hbm>> -> memref<128xi32, #tpu.memory_space<hbm>>
    %dma_start3A_7 = arith.constant 0 : i32
    %dma_start3A_8 = tpu.memref_slice %arg17[%dma_start3A, %dma_start3A_7] : memref<5x128xi32, #tpu.memory_space<vmem>> -> memref<1x128xi32, #tpu.memory_space<vmem>>
    %dma_start3A_9 = tpu.memref_squeeze %dma_start3A_8 : memref<1x128xi32, #tpu.memory_space<vmem>> -> memref<128xi32, #tpu.memory_space<vmem>>
    %dma_start3A_10 = tpu.memref_slice %arg2[%mul3A_2] : memref<4096xi32, #tpu.memory_space<hbm>> -> memref<128xi32, #tpu.memory_space<hbm>>
    tpu.enqueue_dma source(%dma_start3A_10 : memref<128xi32, #tpu.memory_space<hbm>>) target(%dma_start3A_9 : memref<128xi32, #tpu.memory_space<vmem>>) target_semaphore(%arg19 : memref<!tpu.dma_semaphore, #tpu.memory_space<semaphore_mem>>)
    %dma_start3A_11 = arith.constant 1 : i32
    %dma_start3A_12 = arith.constant 0 : i32
    %dma_start3A_13 = tpu.memref_slice %arg17[%dma_start3A_11, %dma_start3A_12] : memref<5x128xi32, #tpu.memory_space<vmem>> -> memref<1x128xi32, #tpu.memory_space<vmem>>
    %dma_start3A_14 = tpu.memref_squeeze %dma_start3A_13 : memref<1x128xi32, #tpu.memory_space<vmem>> -> memref<128xi32, #tpu.memory_space<vmem>>
    %dma_start3A_15 = tpu.memref_slice %arg3[%mul3A_2] : memref<4096xi32, #tpu.memory_space<hbm>> -> memref<128xi32, #tpu.memory_space<hbm>>
    %dma_start3A_16 = arith.constant 0 : i32
    %dma_start3A_17 = tpu.memref_slice %arg17[%dma_start3A_11, %dma_start3A_16] : memref<5x128xi32, #tpu.memory_space<vmem>> -> memref<1x128xi32, #tpu.memory_space<vmem>>
    %dma_start3A_18 = tpu.memref_squeeze %dma_start3A_17 : memref<1x128xi32, #tpu.memory_space<vmem>> -> memref<128xi32, #tpu.memory_space<vmem>>
    %dma_start3A_19 = tpu.memref_slice %arg3[%mul3A_2] : memref<4096xi32, #tpu.memory_space<hbm>> -> memref<128xi32, #tpu.memory_space<hbm>>
    tpu.enqueue_dma source(%dma_start3A_19 : memref<128xi32, #tpu.memory_space<hbm>>) target(%dma_start3A_18 : memref<128xi32, #tpu.memory_space<vmem>>) target_semaphore(%arg19 : memref<!tpu.dma_semaphore, #tpu.memory_space<semaphore_mem>>)
    %dma_start3A_20 = arith.constant 2 : i32
    %dma_start3A_21 = arith.constant 0 : i32
    %dma_start3A_22 = tpu.memref_slice %arg17[%dma_start3A_20, %dma_start3A_21] : memref<5x128xi32, #tpu.memory_space<vmem>> -> memref<1x128xi32, #tpu.memory_space<vmem>>
    %dma_start3A_23 = tpu.memref_squeeze %dma_start3A_22 : memref<1x128xi32, #tpu.memory_space<vmem>> -> memref<128xi32, #tpu.memory_space<vmem>>
    %dma_start3A_24 = tpu.memref_slice %arg4[%mul3A_2] : memref<4096xi32, #tpu.memory_space<hbm>> -> memref<128xi32, #tpu.memory_space<hbm>>
    %dma_start3A_25 = arith.constant 0 : i32
    %dma_start3A_26 = tpu.memref_slice %arg17[%dma_start3A_20, %dma_start3A_25] : memref<5x128xi32, #tpu.memory_space<vmem>> -> memref<1x128xi32, #tpu.memory_space<vmem>>
    %dma_start3A_27 = tpu.memref_squeeze %dma_start3A_26 : memref<1x128xi32, #tpu.memory_space<vmem>> -> memref<128xi32, #tpu.memory_space<vmem>>
    %dma_start3A_28 = tpu.memref_slice %arg4[%mul3A_2] : memref<4096xi32, #tpu.memory_space<hbm>> -> memref<128xi32, #tpu.memory_space<hbm>>
    tpu.enqueue_dma source(%dma_start3A_28 : memref<128xi32, #tpu.memory_space<hbm>>) target(%dma_start3A_27 : memref<128xi32, #tpu.memory_space<vmem>>) target_semaphore(%arg19 : memref<!tpu.dma_semaphore, #tpu.memory_space<semaphore_mem>>)
    %dma_start3A_29 = arith.constant 3 : i32
    %dma_start3A_30 = arith.constant 0 : i32
    %dma_start3A_31 = tpu.memref_slice %arg17[%dma_start3A_29, %dma_start3A_30] : memref<5x128xi32, #tpu.memory_space<vmem>> -> memref<1x128xi32, #tpu.memory_space<vmem>>
    %dma_start3A_32 = tpu.memref_squeeze %dma_start3A_31 : memref<1x128xi32, #tpu.memory_space<vmem>> -> memref<128xi32, #tpu.memory_space<vmem>>
    %dma_start3A_33 = tpu.memref_slice %arg5[%mul3A_2] : memref<4096xi32, #tpu.memory_space<hbm>> -> memref<128xi32, #tpu.memory_space<hbm>>
    %dma_start3A_34 = arith.constant 0 : i32
    %dma_start3A_35 = tpu.memref_slice %arg17[%dma_start3A_29, %dma_start3A_34] : memref<5x128xi32, #tpu.memory_space<vmem>> -> memref<1x128xi32, #tpu.memory_space<vmem>>
    %dma_start3A_36 = tpu.memref_squeeze %dma_start3A_35 : memref<1x128xi32, #tpu.memory_space<vmem>> -> memref<128xi32, #tpu.memory_space<vmem>>
    %dma_start3A_37 = tpu.memref_slice %arg5[%mul3A_2] : memref<4096xi32, #tpu.memory_space<hbm>> -> memref<128xi32, #tpu.memory_space<hbm>>
    tpu.enqueue_dma source(%dma_start3A_37 : memref<128xi32, #tpu.memory_space<hbm>>) target(%dma_start3A_36 : memref<128xi32, #tpu.memory_space<vmem>>) target_semaphore(%arg19 : memref<!tpu.dma_semaphore, #tpu.memory_space<semaphore_mem>>)
    %dma_start3A_38 = arith.constant 4 : i32
    %dma_start3A_39 = arith.constant 0 : i32
    %dma_start3A_40 = tpu.memref_slice %arg17[%dma_start3A_38, %dma_start3A_39] : memref<5x128xi32, #tpu.memory_space<vmem>> -> memref<1x128xi32, #tpu.memory_space<vmem>>
    %dma_start3A_41 = tpu.memref_squeeze %dma_start3A_40 : memref<1x128xi32, #tpu.memory_space<vmem>> -> memref<128xi32, #tpu.memory_space<vmem>>
    %dma_start3A_42 = tpu.memref_slice %arg6[%mul3A_2] : memref<4096xi32, #tpu.memory_space<hbm>> -> memref<128xi32, #tpu.memory_space<hbm>>
    %dma_start3A_43 = arith.constant 0 : i32
    %dma_start3A_44 = tpu.memref_slice %arg17[%dma_start3A_38, %dma_start3A_43] : memref<5x128xi32, #tpu.memory_space<vmem>> -> memref<1x128xi32, #tpu.memory_space<vmem>>
    %dma_start3A_45 = tpu.memref_squeeze %dma_start3A_44 : memref<1x128xi32, #tpu.memory_space<vmem>> -> memref<128xi32, #tpu.memory_space<vmem>>
    %dma_start3A_46 = tpu.memref_slice %arg6[%mul3A_2] : memref<4096xi32, #tpu.memory_space<hbm>> -> memref<128xi32, #tpu.memory_space<hbm>>
    tpu.enqueue_dma source(%dma_start3A_46 : memref<128xi32, #tpu.memory_space<hbm>>) target(%dma_start3A_45 : memref<128xi32, #tpu.memory_space<vmem>>) target_semaphore(%arg19 : memref<!tpu.dma_semaphore, #tpu.memory_space<semaphore_mem>>)
    %dma_wait3A = arith.constant 0 : i32
    %dma_wait3A_47 = arith.constant 0 : i32
    %dma_wait3A_48 = tpu.memref_slice %arg17[%dma_wait3A, %dma_wait3A_47] : memref<5x128xi32, #tpu.memory_space<vmem>> -> memref<1x128xi32, #tpu.memory_space<vmem>>
    %dma_wait3A_49 = tpu.memref_squeeze %dma_wait3A_48 : memref<1x128xi32, #tpu.memory_space<vmem>> -> memref<128xi32, #tpu.memory_space<vmem>>
    %dma_wait3A_50 = tpu.memref_slice %arg2[%mul3A_2] : memref<4096xi32, #tpu.memory_space<hbm>> -> memref<128xi32, #tpu.memory_space<hbm>>
    %dma_wait3A_51 = arith.constant 0 : i32
    %dma_wait3A_52 = tpu.memref_slice %arg17[%dma_wait3A, %dma_wait3A_51] : memref<5x128xi32, #tpu.memory_space<vmem>> -> memref<1x128xi32, #tpu.memory_space<vmem>>
    %dma_wait3A_53 = tpu.memref_squeeze %dma_wait3A_52 : memref<1x128xi32, #tpu.memory_space<vmem>> -> memref<128xi32, #tpu.memory_space<vmem>>
    %dma_wait3A_54 = tpu.memref_slice %arg2[%mul3A_2] : memref<4096xi32, #tpu.memory_space<hbm>> -> memref<128xi32, #tpu.memory_space<hbm>>
    tpu.wait_dma2 semaphore(%arg19 : memref<!tpu.dma_semaphore, #tpu.memory_space<semaphore_mem>>) src(%dma_wait3A_54 : memref<128xi32, #tpu.memory_space<hbm>>) dst(%dma_wait3A_53 : memref<128xi32, #tpu.memory_space<vmem>>)
    %dma_wait3A_55 = arith.constant 1 : i32
    %dma_wait3A_56 = arith.constant 0 : i32
    %dma_wait3A_57 = tpu.memref_slice %arg17[%dma_wait3A_55, %dma_wait3A_56] : memref<5x128xi32, #tpu.memory_space<vmem>> -> memref<1x128xi32, #tpu.memory_space<vmem>>
    %dma_wait3A_58 = tpu.memref_squeeze %dma_wait3A_57 : memref<1x128xi32, #tpu.memory_space<vmem>> -> memref<128xi32, #tpu.memory_space<vmem>>
    %dma_wait3A_59 = tpu.memref_slice %arg3[%mul3A_2] : memref<4096xi32, #tpu.memory_space<hbm>> -> memref<128xi32, #tpu.memory_space<hbm>>
    %dma_wait3A_60 = arith.constant 0 : i32
    %dma_wait3A_61 = tpu.memref_slice %arg17[%dma_wait3A_55, %dma_wait3A_60] : memref<5x128xi32, #tpu.memory_space<vmem>> -> memref<1x128xi32, #tpu.memory_space<vmem>>
    %dma_wait3A_62 = tpu.memref_squeeze %dma_wait3A_61 : memref<1x128xi32, #tpu.memory_space<vmem>> -> memref<128xi32, #tpu.memory_space<vmem>>
    %dma_wait3A_63 = tpu.memref_slice %arg3[%mul3A_2] : memref<4096xi32, #tpu.memory_space<hbm>> -> memref<128xi32, #tpu.memory_space<hbm>>
    tpu.wait_dma2 semaphore(%arg19 : memref<!tpu.dma_semaphore, #tpu.memory_space<semaphore_mem>>) src(%dma_wait3A_63 : memref<128xi32, #tpu.memory_space<hbm>>) dst(%dma_wait3A_62 : memref<128xi32, #tpu.memory_space<vmem>>)
    %dma_wait3A_64 = arith.constant 2 : i32
    %dma_wait3A_65 = arith.constant 0 : i32
    %dma_wait3A_66 = tpu.memref_slice %arg17[%dma_wait3A_64, %dma_wait3A_65] : memref<5x128xi32, #tpu.memory_space<vmem>> -> memref<1x128xi32, #tpu.memory_space<vmem>>
    %dma_wait3A_67 = tpu.memref_squeeze %dma_wait3A_66 : memref<1x128xi32, #tpu.memory_space<vmem>> -> memref<128xi32, #tpu.memory_space<vmem>>
    %dma_wait3A_68 = tpu.memref_slice %arg4[%mul3A_2] : memref<4096xi32, #tpu.memory_space<hbm>> -> memref<128xi32, #tpu.memory_space<hbm>>
    %dma_wait3A_69 = arith.constant 0 : i32
    %dma_wait3A_70 = tpu.memref_slice %arg17[%dma_wait3A_64, %dma_wait3A_69] : memref<5x128xi32, #tpu.memory_space<vmem>> -> memref<1x128xi32, #tpu.memory_space<vmem>>
    %dma_wait3A_71 = tpu.memref_squeeze %dma_wait3A_70 : memref<1x128xi32, #tpu.memory_space<vmem>> -> memref<128xi32, #tpu.memory_space<vmem>>
    %dma_wait3A_72 = tpu.memref_slice %arg4[%mul3A_2] : memref<4096xi32, #tpu.memory_space<hbm>> -> memref<128xi32, #tpu.memory_space<hbm>>
    tpu.wait_dma2 semaphore(%arg19 : memref<!tpu.dma_semaphore, #tpu.memory_space<semaphore_mem>>) src(%dma_wait3A_72 : memref<128xi32, #tpu.memory_space<hbm>>) dst(%dma_wait3A_71 : memref<128xi32, #tpu.memory_space<vmem>>)
    %dma_wait3A_73 = arith.constant 3 : i32
    %dma_wait3A_74 = arith.constant 0 : i32
    %dma_wait3A_75 = tpu.memref_slice %arg17[%dma_wait3A_73, %dma_wait3A_74] : memref<5x128xi32, #tpu.memory_space<vmem>> -> memref<1x128xi32, #tpu.memory_space<vmem>>
    %dma_wait3A_76 = tpu.memref_squeeze %dma_wait3A_75 : memref<1x128xi32, #tpu.memory_space<vmem>> -> memref<128xi32, #tpu.memory_space<vmem>>
    %dma_wait3A_77 = tpu.memref_slice %arg5[%mul3A_2] : memref<4096xi32, #tpu.memory_space<hbm>> -> memref<128xi32, #tpu.memory_space<hbm>>
    %dma_wait3A_78 = arith.constant 0 : i32
    %dma_wait3A_79 = tpu.memref_slice %arg17[%dma_wait3A_73, %dma_wait3A_78] : memref<5x128xi32, #tpu.memory_space<vmem>> -> memref<1x128xi32, #tpu.memory_space<vmem>>
    %dma_wait3A_80 = tpu.memref_squeeze %dma_wait3A_79 : memref<1x128xi32, #tpu.memory_space<vmem>> -> memref<128xi32, #tpu.memory_space<vmem>>
    %dma_wait3A_81 = tpu.memref_slice %arg5[%mul3A_2] : memref<4096xi32, #tpu.memory_space<hbm>> -> memref<128xi32, #tpu.memory_space<hbm>>
    tpu.wait_dma2 semaphore(%arg19 : memref<!tpu.dma_semaphore, #tpu.memory_space<semaphore_mem>>) src(%dma_wait3A_81 : memref<128xi32, #tpu.memory_space<hbm>>) dst(%dma_wait3A_80 : memref<128xi32, #tpu.memory_space<vmem>>)
    %dma_wait3A_82 = arith.constant 4 : i32
    %dma_wait3A_83 = arith.constant 0 : i32
    %dma_wait3A_84 = tpu.memref_slice %arg17[%dma_wait3A_82, %dma_wait3A_83] : memref<5x128xi32, #tpu.memory_space<vmem>> -> memref<1x128xi32, #tpu.memory_space<vmem>>
    %dma_wait3A_85 = tpu.memref_squeeze %dma_wait3A_84 : memref<1x128xi32, #tpu.memory_space<vmem>> -> memref<128xi32, #tpu.memory_space<vmem>>
    %dma_wait3A_86 = tpu.memref_slice %arg6[%mul3A_2] : memref<4096xi32, #tpu.memory_space<hbm>> -> memref<128xi32, #tpu.memory_space<hbm>>
    %dma_wait3A_87 = arith.constant 0 : i32
    %dma_wait3A_88 = tpu.memref_slice %arg17[%dma_wait3A_82, %dma_wait3A_87] : memref<5x128xi32, #tpu.memory_space<vmem>> -> memref<1x128xi32, #tpu.memory_space<vmem>>
    %dma_wait3A_89 = tpu.memref_squeeze %dma_wait3A_88 : memref<1x128xi32, #tpu.memory_space<vmem>> -> memref<128xi32, #tpu.memory_space<vmem>>
    %dma_wait3A_90 = tpu.memref_slice %arg6[%mul3A_2] : memref<4096xi32, #tpu.memory_space<hbm>> -> memref<128xi32, #tpu.memory_space<hbm>>
    tpu.wait_dma2 semaphore(%arg19 : memref<!tpu.dma_semaphore, #tpu.memory_space<semaphore_mem>>) src(%dma_wait3A_90 : memref<128xi32, #tpu.memory_space<hbm>>) dst(%dma_wait3A_89 : memref<128xi32, #tpu.memory_space<vmem>>)
    %dma_start3A_91 = arith.constant 0 : i32
    %dma_start3A_92 = arith.constant 0 : i32
    %dma_start3A_93 = arith.constant 0 : i32
    %dma_start3A_94 = arith.constant 0 : i32
    %dma_start3A_95 = tpu.memref_slice %arg18[%dma_start3A_92, %dma_start3A_93, %dma_start3A_94] : memref<5x128x128xf32, #tpu.memory_space<vmem>> -> memref<1x128x128xf32, #tpu.memory_space<vmem>>
    %dma_start3A_96 = tpu.memref_squeeze %dma_start3A_95 : memref<1x128x128xf32, #tpu.memory_space<vmem>> -> memref<128x128xf32, #tpu.memory_space<vmem>>
    %dma_start3A_97 = arith.constant 0 : i32
    %dma_start3A_98 = tpu.memref_slice %arg17[%dma_start3A_91, %dma_start3A_97] : memref<5x128xi32, #tpu.memory_space<vmem>> -> memref<1x128xi32, #tpu.memory_space<vmem>>
    %dma_start3A_99 = tpu.memref_squeeze %dma_start3A_98 : memref<1x128xi32, #tpu.memory_space<vmem>> -> memref<128xi32, #tpu.memory_space<vmem>>
    %dma_start3A_100 = arith.constant 0 : i32
    %dma_start3A_101 = arith.constant 0 : i32
    %dma_start3A_102 = tpu.memref_slice %arg7[%dma_start3A_100, %dma_start3A_101] : memref<100000x128xf32, #tpu.memory_space<hbm>> -> memref<100000x128xf32, #tpu.memory_space<hbm>>
    tpu.enqueue_indirect_dma source(%dma_start3A_102 : memref<100000x128xf32, #tpu.memory_space<hbm>>) target(%dma_start3A_96 : memref<128x128xf32, #tpu.memory_space<vmem>>) offsets(%dma_start3A_99 : memref<128xi32, #tpu.memory_space<vmem>>) semaphore(%arg20 : memref<!tpu.dma_semaphore, #tpu.memory_space<semaphore_mem>>)
    %dma_start3A_103 = arith.constant 1 : i32
    %dma_start3A_104 = arith.constant 1 : i32
    %dma_start3A_105 = arith.constant 0 : i32
    %dma_start3A_106 = arith.constant 0 : i32
    %dma_start3A_107 = tpu.memref_slice %arg18[%dma_start3A_104, %dma_start3A_105, %dma_start3A_106] : memref<5x128x128xf32, #tpu.memory_space<vmem>> -> memref<1x128x128xf32, #tpu.memory_space<vmem>>
    %dma_start3A_108 = tpu.memref_squeeze %dma_start3A_107 : memref<1x128x128xf32, #tpu.memory_space<vmem>> -> memref<128x128xf32, #tpu.memory_space<vmem>>
    %dma_start3A_109 = arith.constant 0 : i32
    %dma_start3A_110 = tpu.memref_slice %arg17[%dma_start3A_103, %dma_start3A_109] : memref<5x128xi32, #tpu.memory_space<vmem>> -> memref<1x128xi32, #tpu.memory_space<vmem>>
    %dma_start3A_111 = tpu.memref_squeeze %dma_start3A_110 : memref<1x128xi32, #tpu.memory_space<vmem>> -> memref<128xi32, #tpu.memory_space<vmem>>
    %dma_start3A_112 = arith.constant 0 : i32
    %dma_start3A_113 = arith.constant 0 : i32
    %dma_start3A_114 = tpu.memref_slice %arg8[%dma_start3A_112, %dma_start3A_113] : memref<100000x128xf32, #tpu.memory_space<hbm>> -> memref<100000x128xf32, #tpu.memory_space<hbm>>
    tpu.enqueue_indirect_dma source(%dma_start3A_114 : memref<100000x128xf32, #tpu.memory_space<hbm>>) target(%dma_start3A_108 : memref<128x128xf32, #tpu.memory_space<vmem>>) offsets(%dma_start3A_111 : memref<128xi32, #tpu.memory_space<vmem>>) semaphore(%arg20 : memref<!tpu.dma_semaphore, #tpu.memory_space<semaphore_mem>>)
    %dma_start3A_115 = arith.constant 2 : i32
    %dma_start3A_116 = arith.constant 2 : i32
    %dma_start3A_117 = arith.constant 0 : i32
    %dma_start3A_118 = arith.constant 0 : i32
    %dma_start3A_119 = tpu.memref_slice %arg18[%dma_start3A_116, %dma_start3A_117, %dma_start3A_118] : memref<5x128x128xf32, #tpu.memory_space<vmem>> -> memref<1x128x128xf32, #tpu.memory_space<vmem>>
    %dma_start3A_120 = tpu.memref_squeeze %dma_start3A_119 : memref<1x128x128xf32, #tpu.memory_space<vmem>> -> memref<128x128xf32, #tpu.memory_space<vmem>>
    %dma_start3A_121 = arith.constant 0 : i32
    %dma_start3A_122 = tpu.memref_slice %arg17[%dma_start3A_115, %dma_start3A_121] : memref<5x128xi32, #tpu.memory_space<vmem>> -> memref<1x128xi32, #tpu.memory_space<vmem>>
    %dma_start3A_123 = tpu.memref_squeeze %dma_start3A_122 : memref<1x128xi32, #tpu.memory_space<vmem>> -> memref<128xi32, #tpu.memory_space<vmem>>
    %dma_start3A_124 = arith.constant 0 : i32
    %dma_start3A_125 = arith.constant 0 : i32
    %dma_start3A_126 = tpu.memref_slice %arg9[%dma_start3A_124, %dma_start3A_125] : memref<100000x128xf32, #tpu.memory_space<hbm>> -> memref<100000x128xf32, #tpu.memory_space<hbm>>
    tpu.enqueue_indirect_dma source(%dma_start3A_126 : memref<100000x128xf32, #tpu.memory_space<hbm>>) target(%dma_start3A_120 : memref<128x128xf32, #tpu.memory_space<vmem>>) offsets(%dma_start3A_123 : memref<128xi32, #tpu.memory_space<vmem>>) semaphore(%arg20 : memref<!tpu.dma_semaphore, #tpu.memory_space<semaphore_mem>>)
    %dma_start3A_127 = arith.constant 3 : i32
    %dma_start3A_128 = arith.constant 3 : i32
    %dma_start3A_129 = arith.constant 0 : i32
    %dma_start3A_130 = arith.constant 0 : i32
    %dma_start3A_131 = tpu.memref_slice %arg18[%dma_start3A_128, %dma_start3A_129, %dma_start3A_130] : memref<5x128x128xf32, #tpu.memory_space<vmem>> -> memref<1x128x128xf32, #tpu.memory_space<vmem>>
    %dma_start3A_132 = tpu.memref_squeeze %dma_start3A_131 : memref<1x128x128xf32, #tpu.memory_space<vmem>> -> memref<128x128xf32, #tpu.memory_space<vmem>>
    %dma_start3A_133 = arith.constant 0 : i32
    %dma_start3A_134 = tpu.memref_slice %arg17[%dma_start3A_127, %dma_start3A_133] : memref<5x128xi32, #tpu.memory_space<vmem>> -> memref<1x128xi32, #tpu.memory_space<vmem>>
    %dma_start3A_135 = tpu.memref_squeeze %dma_start3A_134 : memref<1x128xi32, #tpu.memory_space<vmem>> -> memref<128xi32, #tpu.memory_space<vmem>>
    %dma_start3A_136 = arith.constant 0 : i32
    %dma_start3A_137 = arith.constant 0 : i32
    %dma_start3A_138 = tpu.memref_slice %arg10[%dma_start3A_136, %dma_start3A_137] : memref<1000x128xf32, #tpu.memory_space<hbm>> -> memref<1000x128xf32, #tpu.memory_space<hbm>>
    tpu.enqueue_indirect_dma source(%dma_start3A_138 : memref<1000x128xf32, #tpu.memory_space<hbm>>) target(%dma_start3A_132 : memref<128x128xf32, #tpu.memory_space<vmem>>) offsets(%dma_start3A_135 : memref<128xi32, #tpu.memory_space<vmem>>) semaphore(%arg20 : memref<!tpu.dma_semaphore, #tpu.memory_space<semaphore_mem>>)
    %dma_start3A_139 = arith.constant 4 : i32
    %dma_start3A_140 = arith.constant 4 : i32
    %dma_start3A_141 = arith.constant 0 : i32
    %dma_start3A_142 = arith.constant 0 : i32
    %dma_start3A_143 = tpu.memref_slice %arg18[%dma_start3A_140, %dma_start3A_141, %dma_start3A_142] : memref<5x128x128xf32, #tpu.memory_space<vmem>> -> memref<1x128x128xf32, #tpu.memory_space<vmem>>
    %dma_start3A_144 = tpu.memref_squeeze %dma_start3A_143 : memref<1x128x128xf32, #tpu.memory_space<vmem>> -> memref<128x128xf32, #tpu.memory_space<vmem>>
    %dma_start3A_145 = arith.constant 0 : i32
    %dma_start3A_146 = tpu.memref_slice %arg17[%dma_start3A_139, %dma_start3A_145] : memref<5x128xi32, #tpu.memory_space<vmem>> -> memref<1x128xi32, #tpu.memory_space<vmem>>
    %dma_start3A_147 = tpu.memref_squeeze %dma_start3A_146 : memref<1x128xi32, #tpu.memory_space<vmem>> -> memref<128xi32, #tpu.memory_space<vmem>>
    %dma_start3A_148 = arith.constant 0 : i32
    %dma_start3A_149 = arith.constant 0 : i32
    %dma_start3A_150 = tpu.memref_slice %arg11[%dma_start3A_148, %dma_start3A_149] : memref<1000x128xf32, #tpu.memory_space<hbm>> -> memref<1000x128xf32, #tpu.memory_space<hbm>>
    tpu.enqueue_indirect_dma source(%dma_start3A_150 : memref<1000x128xf32, #tpu.memory_space<hbm>>) target(%dma_start3A_144 : memref<128x128xf32, #tpu.memory_space<vmem>>) offsets(%dma_start3A_147 : memref<128xi32, #tpu.memory_space<vmem>>) semaphore(%arg20 : memref<!tpu.dma_semaphore, #tpu.memory_space<semaphore_mem>>)
    %dma_wait3A_151 = arith.constant 0 : i32
    %dma_wait3A_152 = arith.constant 0 : i32
    %dma_wait3A_153 = arith.constant 0 : i32
    %dma_wait3A_154 = arith.constant 0 : i32
    %dma_wait3A_155 = tpu.memref_slice %arg18[%dma_wait3A_152, %dma_wait3A_153, %dma_wait3A_154] : memref<5x128x128xf32, #tpu.memory_space<vmem>> -> memref<1x128x128xf32, #tpu.memory_space<vmem>>
    %dma_wait3A_156 = tpu.memref_squeeze %dma_wait3A_155 : memref<1x128x128xf32, #tpu.memory_space<vmem>> -> memref<128x128xf32, #tpu.memory_space<vmem>>
    %dma_wait3A_157 = arith.constant 0 : i32
    %dma_wait3A_158 = tpu.memref_slice %arg17[%dma_wait3A_151, %dma_wait3A_157] : memref<5x128xi32, #tpu.memory_space<vmem>> -> memref<1x128xi32, #tpu.memory_space<vmem>>
    %dma_wait3A_159 = tpu.memref_squeeze %dma_wait3A_158 : memref<1x128xi32, #tpu.memory_space<vmem>> -> memref<128xi32, #tpu.memory_space<vmem>>
    %dma_wait3A_160 = arith.constant 0 : i32
    %dma_wait3A_161 = arith.constant 0 : i32
    %dma_wait3A_162 = tpu.memref_slice %arg7[%dma_wait3A_160, %dma_wait3A_161] : memref<100000x128xf32, #tpu.memory_space<hbm>> -> memref<100000x128xf32, #tpu.memory_space<hbm>>
    tpu.wait_indirect_dma semaphore(%arg20 : memref<!tpu.dma_semaphore, #tpu.memory_space<semaphore_mem>>) src(%dma_wait3A_162 : memref<100000x128xf32, #tpu.memory_space<hbm>>) dst(%dma_wait3A_156 : memref<128x128xf32, #tpu.memory_space<vmem>>)
    %dma_wait3A_163 = arith.constant 1 : i32
    %dma_wait3A_164 = arith.constant 1 : i32
    %dma_wait3A_165 = arith.constant 0 : i32
    %dma_wait3A_166 = arith.constant 0 : i32
    %dma_wait3A_167 = tpu.memref_slice %arg18[%dma_wait3A_164, %dma_wait3A_165, %dma_wait3A_166] : memref<5x128x128xf32, #tpu.memory_space<vmem>> -> memref<1x128x128xf32, #tpu.memory_space<vmem>>
    %dma_wait3A_168 = tpu.memref_squeeze %dma_wait3A_167 : memref<1x128x128xf32, #tpu.memory_space<vmem>> -> memref<128x128xf32, #tpu.memory_space<vmem>>
    %dma_wait3A_169 = arith.constant 0 : i32
    %dma_wait3A_170 = tpu.memref_slice %arg17[%dma_wait3A_163, %dma_wait3A_169] : memref<5x128xi32, #tpu.memory_space<vmem>> -> memref<1x128xi32, #tpu.memory_space<vmem>>
    %dma_wait3A_171 = tpu.memref_squeeze %dma_wait3A_170 : memref<1x128xi32, #tpu.memory_space<vmem>> -> memref<128xi32, #tpu.memory_space<vmem>>
    %dma_wait3A_172 = arith.constant 0 : i32
    %dma_wait3A_173 = arith.constant 0 : i32
    %dma_wait3A_174 = tpu.memref_slice %arg8[%dma_wait3A_172, %dma_wait3A_173] : memref<100000x128xf32, #tpu.memory_space<hbm>> -> memref<100000x128xf32, #tpu.memory_space<hbm>>
    tpu.wait_indirect_dma semaphore(%arg20 : memref<!tpu.dma_semaphore, #tpu.memory_space<semaphore_mem>>) src(%dma_wait3A_174 : memref<100000x128xf32, #tpu.memory_space<hbm>>) dst(%dma_wait3A_168 : memref<128x128xf32, #tpu.memory_space<vmem>>)
    %dma_wait3A_175 = arith.constant 2 : i32
    %dma_wait3A_176 = arith.constant 2 : i32
    %dma_wait3A_177 = arith.constant 0 : i32
    %dma_wait3A_178 = arith.constant 0 : i32
    %dma_wait3A_179 = tpu.memref_slice %arg18[%dma_wait3A_176, %dma_wait3A_177, %dma_wait3A_178] : memref<5x128x128xf32, #tpu.memory_space<vmem>> -> memref<1x128x128xf32, #tpu.memory_space<vmem>>
    %dma_wait3A_180 = tpu.memref_squeeze %dma_wait3A_179 : memref<1x128x128xf32, #tpu.memory_space<vmem>> -> memref<128x128xf32, #tpu.memory_space<vmem>>
    %dma_wait3A_181 = arith.constant 0 : i32
    %dma_wait3A_182 = tpu.memref_slice %arg17[%dma_wait3A_175, %dma_wait3A_181] : memref<5x128xi32, #tpu.memory_space<vmem>> -> memref<1x128xi32, #tpu.memory_space<vmem>>
    %dma_wait3A_183 = tpu.memref_squeeze %dma_wait3A_182 : memref<1x128xi32, #tpu.memory_space<vmem>> -> memref<128xi32, #tpu.memory_space<vmem>>
    %dma_wait3A_184 = arith.constant 0 : i32
    %dma_wait3A_185 = arith.constant 0 : i32
    %dma_wait3A_186 = tpu.memref_slice %arg9[%dma_wait3A_184, %dma_wait3A_185] : memref<100000x128xf32, #tpu.memory_space<hbm>> -> memref<100000x128xf32, #tpu.memory_space<hbm>>
    tpu.wait_indirect_dma semaphore(%arg20 : memref<!tpu.dma_semaphore, #tpu.memory_space<semaphore_mem>>) src(%dma_wait3A_186 : memref<100000x128xf32, #tpu.memory_space<hbm>>) dst(%dma_wait3A_180 : memref<128x128xf32, #tpu.memory_space<vmem>>)
    %dma_wait3A_187 = arith.constant 3 : i32
    %dma_wait3A_188 = arith.constant 3 : i32
    %dma_wait3A_189 = arith.constant 0 : i32
    %dma_wait3A_190 = arith.constant 0 : i32
    %dma_wait3A_191 = tpu.memref_slice %arg18[%dma_wait3A_188, %dma_wait3A_189, %dma_wait3A_190] : memref<5x128x128xf32, #tpu.memory_space<vmem>> -> memref<1x128x128xf32, #tpu.memory_space<vmem>>
    %dma_wait3A_192 = tpu.memref_squeeze %dma_wait3A_191 : memref<1x128x128xf32, #tpu.memory_space<vmem>> -> memref<128x128xf32, #tpu.memory_space<vmem>>
    %dma_wait3A_193 = arith.constant 0 : i32
    %dma_wait3A_194 = tpu.memref_slice %arg17[%dma_wait3A_187, %dma_wait3A_193] : memref<5x128xi32, #tpu.memory_space<vmem>> -> memref<1x128xi32, #tpu.memory_space<vmem>>
    %dma_wait3A_195 = tpu.memref_squeeze %dma_wait3A_194 : memref<1x128xi32, #tpu.memory_space<vmem>> -> memref<128xi32, #tpu.memory_space<vmem>>
    %dma_wait3A_196 = arith.constant 0 : i32
    %dma_wait3A_197 = arith.constant 0 : i32
    %dma_wait3A_198 = tpu.memref_slice %arg10[%dma_wait3A_196, %dma_wait3A_197] : memref<1000x128xf32, #tpu.memory_space<hbm>> -> memref<1000x128xf32, #tpu.memory_space<hbm>>
    tpu.wait_indirect_dma semaphore(%arg20 : memref<!tpu.dma_semaphore, #tpu.memory_space<semaphore_mem>>) src(%dma_wait3A_198 : memref<1000x128xf32, #tpu.memory_space<hbm>>) dst(%dma_wait3A_192 : memref<128x128xf32, #tpu.memory_space<vmem>>)
    %dma_wait3A_199 = arith.constant 4 : i32
    %dma_wait3A_200 = arith.constant 4 : i32
    %dma_wait3A_201 = arith.constant 0 : i32
    %dma_wait3A_202 = arith.constant 0 : i32
    %dma_wait3A_203 = tpu.memref_slice %arg18[%dma_wait3A_200, %dma_wait3A_201, %dma_wait3A_202] : memref<5x128x128xf32, #tpu.memory_space<vmem>> -> memref<1x128x128xf32, #tpu.memory_space<vmem>>
    %dma_wait3A_204 = tpu.memref_squeeze %dma_wait3A_203 : memref<1x128x128xf32, #tpu.memory_space<vmem>> -> memref<128x128xf32, #tpu.memory_space<vmem>>
    %dma_wait3A_205 = arith.constant 0 : i32
    %dma_wait3A_206 = tpu.memref_slice %arg17[%dma_wait3A_199, %dma_wait3A_205] : memref<5x128xi32, #tpu.memory_space<vmem>> -> memref<1x128xi32, #tpu.memory_space<vmem>>
    %dma_wait3A_207 = tpu.memref_squeeze %dma_wait3A_206 : memref<1x128xi32, #tpu.memory_space<vmem>> -> memref<128xi32, #tpu.memory_space<vmem>>
    %dma_wait3A_208 = arith.constant 0 : i32
    %dma_wait3A_209 = arith.constant 0 : i32
    %dma_wait3A_210 = tpu.memref_slice %arg11[%dma_wait3A_208, %dma_wait3A_209] : memref<1000x128xf32, #tpu.memory_space<hbm>> -> memref<1000x128xf32, #tpu.memory_space<hbm>>
    tpu.wait_indirect_dma semaphore(%arg20 : memref<!tpu.dma_semaphore, #tpu.memory_space<semaphore_mem>>) src(%dma_wait3A_210 : memref<1000x128xf32, #tpu.memory_space<hbm>>) dst(%dma_wait3A_204 : memref<128x128xf32, #tpu.memory_space<vmem>>)
    %dma_start3A_211 = arith.constant 0 : i32
    %dma_start3A_212 = arith.constant 0 : i32
    %dma_start3A_213 = arith.constant 0 : i32
    %dma_start3A_214 = tpu.memref_slice %arg18[%dma_start3A_211, %dma_start3A_212, %dma_start3A_213] : memref<5x128x128xf32, #tpu.memory_space<vmem>> -> memref<1x128x128xf32, #tpu.memory_space<vmem>>
    %dma_start3A_215 = tpu.memref_squeeze %dma_start3A_214 : memref<1x128x128xf32, #tpu.memory_space<vmem>> -> memref<128x128xf32, #tpu.memory_space<vmem>>
    %dma_start3A_216 = arith.constant 0 : i32
    %dma_start3A_217 = tpu.memref_slice %arg12[%mul3A_2, %dma_start3A_216] : memref<4096x128xf32, #tpu.memory_space<hbm>> -> memref<128x128xf32, #tpu.memory_space<hbm>>
    %dma_start3A_218 = arith.constant 0 : i32
    %dma_start3A_219 = tpu.memref_slice %arg12[%mul3A_2, %dma_start3A_218] : memref<4096x128xf32, #tpu.memory_space<hbm>> -> memref<128x128xf32, #tpu.memory_space<hbm>>
    %dma_start3A_220 = arith.constant 0 : i32
    %dma_start3A_221 = arith.constant 0 : i32
    %dma_start3A_222 = tpu.memref_slice %arg18[%dma_start3A_211, %dma_start3A_220, %dma_start3A_221] : memref<5x128x128xf32, #tpu.memory_space<vmem>> -> memref<1x128x128xf32, #tpu.memory_space<vmem>>
    %dma_start3A_223 = tpu.memref_squeeze %dma_start3A_222 : memref<1x128x128xf32, #tpu.memory_space<vmem>> -> memref<128x128xf32, #tpu.memory_space<vmem>>
    tpu.enqueue_dma source(%dma_start3A_223 : memref<128x128xf32, #tpu.memory_space<vmem>>) target(%dma_start3A_219 : memref<128x128xf32, #tpu.memory_space<hbm>>) target_semaphore(%arg21 : memref<!tpu.dma_semaphore, #tpu.memory_space<semaphore_mem>>)
    %dma_start3A_224 = arith.constant 1 : i32
    %dma_start3A_225 = arith.constant 0 : i32
    %dma_start3A_226 = arith.constant 0 : i32
    %dma_start3A_227 = tpu.memref_slice %arg18[%dma_start3A_224, %dma_start3A_225, %dma_start3A_226] : memref<5x128x128xf32, #tpu.memory_space<vmem>> -> memref<1x128x128xf32, #tpu.memory_space<vmem>>
    %dma_start3A_228 = tpu.memref_squeeze %dma_start3A_227 : memref<1x128x128xf32, #tpu.memory_space<vmem>> -> memref<128x128xf32, #tpu.memory_space<vmem>>
    %dma_start3A_229 = arith.constant 0 : i32
    %dma_start3A_230 = tpu.memref_slice %arg13[%mul3A_2, %dma_start3A_229] : memref<4096x128xf32, #tpu.memory_space<hbm>> -> memref<128x128xf32, #tpu.memory_space<hbm>>
    %dma_start3A_231 = arith.constant 0 : i32
    %dma_start3A_232 = tpu.memref_slice %arg13[%mul3A_2, %dma_start3A_231] : memref<4096x128xf32, #tpu.memory_space<hbm>> -> memref<128x128xf32, #tpu.memory_space<hbm>>
    %dma_start3A_233 = arith.constant 0 : i32
    %dma_start3A_234 = arith.constant 0 : i32
    %dma_start3A_235 = tpu.memref_slice %arg18[%dma_start3A_224, %dma_start3A_233, %dma_start3A_234] : memref<5x128x128xf32, #tpu.memory_space<vmem>> -> memref<1x128x128xf32, #tpu.memory_space<vmem>>
    %dma_start3A_236 = tpu.memref_squeeze %dma_start3A_235 : memref<1x128x128xf32, #tpu.memory_space<vmem>> -> memref<128x128xf32, #tpu.memory_space<vmem>>
    tpu.enqueue_dma source(%dma_start3A_236 : memref<128x128xf32, #tpu.memory_space<vmem>>) target(%dma_start3A_232 : memref<128x128xf32, #tpu.memory_space<hbm>>) target_semaphore(%arg21 : memref<!tpu.dma_semaphore, #tpu.memory_space<semaphore_mem>>)
    %dma_start3A_237 = arith.constant 2 : i32
    %dma_start3A_238 = arith.constant 0 : i32
    %dma_start3A_239 = arith.constant 0 : i32
    %dma_start3A_240 = tpu.memref_slice %arg18[%dma_start3A_237, %dma_start3A_238, %dma_start3A_239] : memref<5x128x128xf32, #tpu.memory_space<vmem>> -> memref<1x128x128xf32, #tpu.memory_space<vmem>>
    %dma_start3A_241 = tpu.memref_squeeze %dma_start3A_240 : memref<1x128x128xf32, #tpu.memory_space<vmem>> -> memref<128x128xf32, #tpu.memory_space<vmem>>
    %dma_start3A_242 = arith.constant 0 : i32
    %dma_start3A_243 = tpu.memref_slice %arg14[%mul3A_2, %dma_start3A_242] : memref<4096x128xf32, #tpu.memory_space<hbm>> -> memref<128x128xf32, #tpu.memory_space<hbm>>
    %dma_start3A_244 = arith.constant 0 : i32
    %dma_start3A_245 = tpu.memref_slice %arg14[%mul3A_2, %dma_start3A_244] : memref<4096x128xf32, #tpu.memory_space<hbm>> -> memref<128x128xf32, #tpu.memory_space<hbm>>
    %dma_start3A_246 = arith.constant 0 : i32
    %dma_start3A_247 = arith.constant 0 : i32
    %dma_start3A_248 = tpu.memref_slice %arg18[%dma_start3A_237, %dma_start3A_246, %dma_start3A_247] : memref<5x128x128xf32, #tpu.memory_space<vmem>> -> memref<1x128x128xf32, #tpu.memory_space<vmem>>
    %dma_start3A_249 = tpu.memref_squeeze %dma_start3A_248 : memref<1x128x128xf32, #tpu.memory_space<vmem>> -> memref<128x128xf32, #tpu.memory_space<vmem>>
    tpu.enqueue_dma source(%dma_start3A_249 : memref<128x128xf32, #tpu.memory_space<vmem>>) target(%dma_start3A_245 : memref<128x128xf32, #tpu.memory_space<hbm>>) target_semaphore(%arg21 : memref<!tpu.dma_semaphore, #tpu.memory_space<semaphore_mem>>)
    %dma_start3A_250 = arith.constant 3 : i32
    %dma_start3A_251 = arith.constant 0 : i32
    %dma_start3A_252 = arith.constant 0 : i32
    %dma_start3A_253 = tpu.memref_slice %arg18[%dma_start3A_250, %dma_start3A_251, %dma_start3A_252] : memref<5x128x128xf32, #tpu.memory_space<vmem>> -> memref<1x128x128xf32, #tpu.memory_space<vmem>>
    %dma_start3A_254 = tpu.memref_squeeze %dma_start3A_253 : memref<1x128x128xf32, #tpu.memory_space<vmem>> -> memref<128x128xf32, #tpu.memory_space<vmem>>
    %dma_start3A_255 = arith.constant 0 : i32
    %dma_start3A_256 = tpu.memref_slice %arg15[%mul3A_2, %dma_start3A_255] : memref<4096x128xf32, #tpu.memory_space<hbm>> -> memref<128x128xf32, #tpu.memory_space<hbm>>
    %dma_start3A_257 = arith.constant 0 : i32
    %dma_start3A_258 = tpu.memref_slice %arg15[%mul3A_2, %dma_start3A_257] : memref<4096x128xf32, #tpu.memory_space<hbm>> -> memref<128x128xf32, #tpu.memory_space<hbm>>
    %dma_start3A_259 = arith.constant 0 : i32
    %dma_start3A_260 = arith.constant 0 : i32
    %dma_start3A_261 = tpu.memref_slice %arg18[%dma_start3A_250, %dma_start3A_259, %dma_start3A_260] : memref<5x128x128xf32, #tpu.memory_space<vmem>> -> memref<1x128x128xf32, #tpu.memory_space<vmem>>
    %dma_start3A_262 = tpu.memref_squeeze %dma_start3A_261 : memref<1x128x128xf32, #tpu.memory_space<vmem>> -> memref<128x128xf32, #tpu.memory_space<vmem>>
    tpu.enqueue_dma source(%dma_start3A_262 : memref<128x128xf32, #tpu.memory_space<vmem>>) target(%dma_start3A_258 : memref<128x128xf32, #tpu.memory_space<hbm>>) target_semaphore(%arg21 : memref<!tpu.dma_semaphore, #tpu.memory_space<semaphore_mem>>)
    %dma_start3A_263 = arith.constant 4 : i32
    %dma_start3A_264 = arith.constant 0 : i32
    %dma_start3A_265 = arith.constant 0 : i32
    %dma_start3A_266 = tpu.memref_slice %arg18[%dma_start3A_263, %dma_start3A_264, %dma_start3A_265] : memref<5x128x128xf32, #tpu.memory_space<vmem>> -> memref<1x128x128xf32, #tpu.memory_space<vmem>>
    %dma_start3A_267 = tpu.memref_squeeze %dma_start3A_266 : memref<1x128x128xf32, #tpu.memory_space<vmem>> -> memref<128x128xf32, #tpu.memory_space<vmem>>
    %dma_start3A_268 = arith.constant 0 : i32
    %dma_start3A_269 = tpu.memref_slice %arg16[%mul3A_2, %dma_start3A_268] : memref<4096x128xf32, #tpu.memory_space<hbm>> -> memref<128x128xf32, #tpu.memory_space<hbm>>
    %dma_start3A_270 = arith.constant 0 : i32
    %dma_start3A_271 = tpu.memref_slice %arg16[%mul3A_2, %dma_start3A_270] : memref<4096x128xf32, #tpu.memory_space<hbm>> -> memref<128x128xf32, #tpu.memory_space<hbm>>
    %dma_start3A_272 = arith.constant 0 : i32
    %dma_start3A_273 = arith.constant 0 : i32
    %dma_start3A_274 = tpu.memref_slice %arg18[%dma_start3A_263, %dma_start3A_272, %dma_start3A_273] : memref<5x128x128xf32, #tpu.memory_space<vmem>> -> memref<1x128x128xf32, #tpu.memory_space<vmem>>
    %dma_start3A_275 = tpu.memref_squeeze %dma_start3A_274 : memref<1x128x128xf32, #tpu.memory_space<vmem>> -> memref<128x128xf32, #tpu.memory_space<vmem>>
    tpu.enqueue_dma source(%dma_start3A_275 : memref<128x128xf32, #tpu.memory_space<vmem>>) target(%dma_start3A_271 : memref<128x128xf32, #tpu.memory_space<hbm>>) target_semaphore(%arg21 : memref<!tpu.dma_semaphore, #tpu.memory_space<semaphore_mem>>)
    %dma_wait3A_276 = arith.constant 0 : i32
    %dma_wait3A_277 = arith.constant 0 : i32
    %dma_wait3A_278 = arith.constant 0 : i32
    %dma_wait3A_279 = tpu.memref_slice %arg18[%dma_wait3A_276, %dma_wait3A_277, %dma_wait3A_278] : memref<5x128x128xf32, #tpu.memory_space<vmem>> -> memref<1x128x128xf32, #tpu.memory_space<vmem>>
    %dma_wait3A_280 = tpu.memref_squeeze %dma_wait3A_279 : memref<1x128x128xf32, #tpu.memory_space<vmem>> -> memref<128x128xf32, #tpu.memory_space<vmem>>
    %dma_wait3A_281 = arith.constant 0 : i32
    %dma_wait3A_282 = tpu.memref_slice %arg12[%mul3A_2, %dma_wait3A_281] : memref<4096x128xf32, #tpu.memory_space<hbm>> -> memref<128x128xf32, #tpu.memory_space<hbm>>
    %dma_wait3A_283 = arith.constant 0 : i32
    %dma_wait3A_284 = tpu.memref_slice %arg12[%mul3A_2, %dma_wait3A_283] : memref<4096x128xf32, #tpu.memory_space<hbm>> -> memref<128x128xf32, #tpu.memory_space<hbm>>
    %dma_wait3A_285 = arith.constant 0 : i32
    %dma_wait3A_286 = arith.constant 0 : i32
    %dma_wait3A_287 = tpu.memref_slice %arg18[%dma_wait3A_276, %dma_wait3A_285, %dma_wait3A_286] : memref<5x128x128xf32, #tpu.memory_space<vmem>> -> memref<1x128x128xf32, #tpu.memory_space<vmem>>
    %dma_wait3A_288 = tpu.memref_squeeze %dma_wait3A_287 : memref<1x128x128xf32, #tpu.memory_space<vmem>> -> memref<128x128xf32, #tpu.memory_space<vmem>>
    tpu.wait_dma2 semaphore(%arg21 : memref<!tpu.dma_semaphore, #tpu.memory_space<semaphore_mem>>) src(%dma_wait3A_288 : memref<128x128xf32, #tpu.memory_space<vmem>>) dst(%dma_wait3A_284 : memref<128x128xf32, #tpu.memory_space<hbm>>)
    %dma_wait3A_289 = arith.constant 1 : i32
    %dma_wait3A_290 = arith.constant 0 : i32
    %dma_wait3A_291 = arith.constant 0 : i32
    %dma_wait3A_292 = tpu.memref_slice %arg18[%dma_wait3A_289, %dma_wait3A_290, %dma_wait3A_291] : memref<5x128x128xf32, #tpu.memory_space<vmem>> -> memref<1x128x128xf32, #tpu.memory_space<vmem>>
    %dma_wait3A_293 = tpu.memref_squeeze %dma_wait3A_292 : memref<1x128x128xf32, #tpu.memory_space<vmem>> -> memref<128x128xf32, #tpu.memory_space<vmem>>
    %dma_wait3A_294 = arith.constant 0 : i32
    %dma_wait3A_295 = tpu.memref_slice %arg13[%mul3A_2, %dma_wait3A_294] : memref<4096x128xf32, #tpu.memory_space<hbm>> -> memref<128x128xf32, #tpu.memory_space<hbm>>
    %dma_wait3A_296 = arith.constant 0 : i32
    %dma_wait3A_297 = tpu.memref_slice %arg13[%mul3A_2, %dma_wait3A_296] : memref<4096x128xf32, #tpu.memory_space<hbm>> -> memref<128x128xf32, #tpu.memory_space<hbm>>
    %dma_wait3A_298 = arith.constant 0 : i32
    %dma_wait3A_299 = arith.constant 0 : i32
    %dma_wait3A_300 = tpu.memref_slice %arg18[%dma_wait3A_289, %dma_wait3A_298, %dma_wait3A_299] : memref<5x128x128xf32, #tpu.memory_space<vmem>> -> memref<1x128x128xf32, #tpu.memory_space<vmem>>
    %dma_wait3A_301 = tpu.memref_squeeze %dma_wait3A_300 : memref<1x128x128xf32, #tpu.memory_space<vmem>> -> memref<128x128xf32, #tpu.memory_space<vmem>>
    tpu.wait_dma2 semaphore(%arg21 : memref<!tpu.dma_semaphore, #tpu.memory_space<semaphore_mem>>) src(%dma_wait3A_301 : memref<128x128xf32, #tpu.memory_space<vmem>>) dst(%dma_wait3A_297 : memref<128x128xf32, #tpu.memory_space<hbm>>)
    %dma_wait3A_302 = arith.constant 2 : i32
    %dma_wait3A_303 = arith.constant 0 : i32
    %dma_wait3A_304 = arith.constant 0 : i32
    %dma_wait3A_305 = tpu.memref_slice %arg18[%dma_wait3A_302, %dma_wait3A_303, %dma_wait3A_304] : memref<5x128x128xf32, #tpu.memory_space<vmem>> -> memref<1x128x128xf32, #tpu.memory_space<vmem>>
    %dma_wait3A_306 = tpu.memref_squeeze %dma_wait3A_305 : memref<1x128x128xf32, #tpu.memory_space<vmem>> -> memref<128x128xf32, #tpu.memory_space<vmem>>
    %dma_wait3A_307 = arith.constant 0 : i32
    %dma_wait3A_308 = tpu.memref_slice %arg14[%mul3A_2, %dma_wait3A_307] : memref<4096x128xf32, #tpu.memory_space<hbm>> -> memref<128x128xf32, #tpu.memory_space<hbm>>
    %dma_wait3A_309 = arith.constant 0 : i32
    %dma_wait3A_310 = tpu.memref_slice %arg14[%mul3A_2, %dma_wait3A_309] : memref<4096x128xf32, #tpu.memory_space<hbm>> -> memref<128x128xf32, #tpu.memory_space<hbm>>
    %dma_wait3A_311 = arith.constant 0 : i32
    %dma_wait3A_312 = arith.constant 0 : i32
    %dma_wait3A_313 = tpu.memref_slice %arg18[%dma_wait3A_302, %dma_wait3A_311, %dma_wait3A_312] : memref<5x128x128xf32, #tpu.memory_space<vmem>> -> memref<1x128x128xf32, #tpu.memory_space<vmem>>
    %dma_wait3A_314 = tpu.memref_squeeze %dma_wait3A_313 : memref<1x128x128xf32, #tpu.memory_space<vmem>> -> memref<128x128xf32, #tpu.memory_space<vmem>>
    tpu.wait_dma2 semaphore(%arg21 : memref<!tpu.dma_semaphore, #tpu.memory_space<semaphore_mem>>) src(%dma_wait3A_314 : memref<128x128xf32, #tpu.memory_space<vmem>>) dst(%dma_wait3A_310 : memref<128x128xf32, #tpu.memory_space<hbm>>)
    %dma_wait3A_315 = arith.constant 3 : i32
    %dma_wait3A_316 = arith.constant 0 : i32
    %dma_wait3A_317 = arith.constant 0 : i32
    %dma_wait3A_318 = tpu.memref_slice %arg18[%dma_wait3A_315, %dma_wait3A_316, %dma_wait3A_317] : memref<5x128x128xf32, #tpu.memory_space<vmem>> -> memref<1x128x128xf32, #tpu.memory_space<vmem>>
    %dma_wait3A_319 = tpu.memref_squeeze %dma_wait3A_318 : memref<1x128x128xf32, #tpu.memory_space<vmem>> -> memref<128x128xf32, #tpu.memory_space<vmem>>
    %dma_wait3A_320 = arith.constant 0 : i32
    %dma_wait3A_321 = tpu.memref_slice %arg15[%mul3A_2, %dma_wait3A_320] : memref<4096x128xf32, #tpu.memory_space<hbm>> -> memref<128x128xf32, #tpu.memory_space<hbm>>
    %dma_wait3A_322 = arith.constant 0 : i32
    %dma_wait3A_323 = tpu.memref_slice %arg15[%mul3A_2, %dma_wait3A_322] : memref<4096x128xf32, #tpu.memory_space<hbm>> -> memref<128x128xf32, #tpu.memory_space<hbm>>
    %dma_wait3A_324 = arith.constant 0 : i32
    %dma_wait3A_325 = arith.constant 0 : i32
    %dma_wait3A_326 = tpu.memref_slice %arg18[%dma_wait3A_315, %dma_wait3A_324, %dma_wait3A_325] : memref<5x128x128xf32, #tpu.memory_space<vmem>> -> memref<1x128x128xf32, #tpu.memory_space<vmem>>
    %dma_wait3A_327 = tpu.memref_squeeze %dma_wait3A_326 : memref<1x128x128xf32, #tpu.memory_space<vmem>> -> memref<128x128xf32, #tpu.memory_space<vmem>>
    tpu.wait_dma2 semaphore(%arg21 : memref<!tpu.dma_semaphore, #tpu.memory_space<semaphore_mem>>) src(%dma_wait3A_327 : memref<128x128xf32, #tpu.memory_space<vmem>>) dst(%dma_wait3A_323 : memref<128x128xf32, #tpu.memory_space<hbm>>)
    %dma_wait3A_328 = arith.constant 4 : i32
    %dma_wait3A_329 = arith.constant 0 : i32
    %dma_wait3A_330 = arith.constant 0 : i32
    %dma_wait3A_331 = tpu.memref_slice %arg18[%dma_wait3A_328, %dma_wait3A_329, %dma_wait3A_330] : memref<5x128x128xf32, #tpu.memory_space<vmem>> -> memref<1x128x128xf32, #tpu.memory_space<vmem>>
    %dma_wait3A_332 = tpu.memref_squeeze %dma_wait3A_331 : memref<1x128x128xf32, #tpu.memory_space<vmem>> -> memref<128x128xf32, #tpu.memory_space<vmem>>
    %dma_wait3A_333 = arith.constant 0 : i32
    %dma_wait3A_334 = tpu.memref_slice %arg16[%mul3A_2, %dma_wait3A_333] : memref<4096x128xf32, #tpu.memory_space<hbm>> -> memref<128x128xf32, #tpu.memory_space<hbm>>
    %dma_wait3A_335 = arith.constant 0 : i32
    %dma_wait3A_336 = tpu.memref_slice %arg16[%mul3A_2, %dma_wait3A_335] : memref<4096x128xf32, #tpu.memory_space<hbm>> -> memref<128x128xf32, #tpu.memory_space<hbm>>
    %dma_wait3A_337 = arith.constant 0 : i32
    %dma_wait3A_338 = arith.constant 0 : i32
    %dma_wait3A_339 = tpu.memref_slice %arg18[%dma_wait3A_328, %dma_wait3A_337, %dma_wait3A_338] : memref<5x128x128xf32, #tpu.memory_space<vmem>> -> memref<1x128x128xf32, #tpu.memory_space<vmem>>
    %dma_wait3A_340 = tpu.memref_squeeze %dma_wait3A_339 : memref<1x128x128xf32, #tpu.memory_space<vmem>> -> memref<128x128xf32, #tpu.memory_space<vmem>>
    tpu.wait_dma2 semaphore(%arg21 : memref<!tpu.dma_semaphore, #tpu.memory_space<semaphore_mem>>) src(%dma_wait3A_340 : memref<128x128xf32, #tpu.memory_space<vmem>>) dst(%dma_wait3A_336 : memref<128x128xf32, #tpu.memory_space<hbm>>)
    return
  }
}

module attributes {stable_mosaic.version = 14 : i64} {
  func.func @_mlp_body(%arg0: i32, %arg1: memref<512x128xf32, #tpu.memory_space<vmem>>, %arg2: memref<512x128xf32, #tpu.memory_space<vmem>>, %arg3: memref<512x128xf32, #tpu.memory_space<vmem>>, %arg4: memref<512x128xf32, #tpu.memory_space<vmem>>, %arg5: memref<512x128xf32, #tpu.memory_space<vmem>>, %arg6: memref<512x128xf32, #tpu.memory_space<vmem>>, %arg7: memref<384x384xf32, #tpu.memory_space<vmem>>, %arg8: memref<1x384xf32, #tpu.memory_space<vmem>>, %arg9: memref<384x384xf32, #tpu.memory_space<vmem>>, %arg10: memref<1x384xf32, #tpu.memory_space<vmem>>, %arg11: memref<384x1xf32, #tpu.memory_space<vmem>>, %arg12: memref<1x1xf32, #tpu.memory_space<vmem>>, %arg13: memref<512x1xf32, #tpu.memory_space<vmem>>) attributes {dimension_semantics = [#tpu.dimension_semantics<arbitrary>], iteration_bounds = array<i64: 8>, scalar_prefetch = 0 : i64, scratch_operands = 0 : i64, tpu.core_type = #tpu.core_type<tc>, window_params = [{transform_indices = @transform_0, window_bounds = array<i64: 512, 128>}, {transform_indices = @transform_1, window_bounds = array<i64: 512, 128>}, {transform_indices = @transform_2, window_bounds = array<i64: 512, 128>}, {transform_indices = @transform_3, window_bounds = array<i64: 512, 128>}, {transform_indices = @transform_4, window_bounds = array<i64: 512, 128>}, {transform_indices = @transform_5, window_bounds = array<i64: 512, 128>}, {pipeline_mode = #tpu.pipeline_mode<synchronous>, transform_indices = @transform_6, window_bounds = array<i64: 384, 384>}, {pipeline_mode = #tpu.pipeline_mode<synchronous>, transform_indices = @transform_7, window_bounds = array<i64: 1, 384>}, {pipeline_mode = #tpu.pipeline_mode<synchronous>, transform_indices = @transform_8, window_bounds = array<i64: 384, 384>}, {pipeline_mode = #tpu.pipeline_mode<synchronous>, transform_indices = @transform_9, window_bounds = array<i64: 1, 384>}, {pipeline_mode = #tpu.pipeline_mode<synchronous>, transform_indices = @transform_10, window_bounds = array<i64: 384, 1>}, {pipeline_mode = #tpu.pipeline_mode<synchronous>, transform_indices = @transform_11, window_bounds = array<i64: 1, 1>}, {transform_indices = @transform_12, window_bounds = array<i64: 512, 1>}]} {
    %get3A = arith.constant 0 : index
    %get3A_0 = arith.constant 0 : index
    %get3A_1 = vector.load %arg1[%get3A, %get3A_0] : memref<512x128xf32, #tpu.memory_space<vmem>>, vector<512x64xf32>
    %get3A_2 = arith.constant 0 : index
    %get3A_3 = arith.constant 0 : index
    %get3A_4 = vector.load %arg2[%get3A_2, %get3A_3] : memref<512x128xf32, #tpu.memory_space<vmem>>, vector<512x64xf32>
    %get3A_5 = arith.constant 0 : index
    %get3A_6 = arith.constant 0 : index
    %get3A_7 = vector.load %arg3[%get3A_5, %get3A_6] : memref<512x128xf32, #tpu.memory_space<vmem>>, vector<512x64xf32>
    %get3A_8 = arith.constant 0 : index
    %get3A_9 = arith.constant 0 : index
    %get3A_10 = vector.load %arg4[%get3A_8, %get3A_9] : memref<512x128xf32, #tpu.memory_space<vmem>>, vector<512x64xf32>
    %get3A_11 = arith.constant 0 : index
    %get3A_12 = arith.constant 0 : index
    %get3A_13 = vector.load %arg5[%get3A_11, %get3A_12] : memref<512x128xf32, #tpu.memory_space<vmem>>, vector<512x64xf32>
    %get3A_14 = arith.constant 0 : index
    %get3A_15 = arith.constant 0 : index
    %get3A_16 = vector.load %arg6[%get3A_14, %get3A_15] : memref<512x128xf32, #tpu.memory_space<vmem>>, vector<512x64xf32>
    %mul3A = arith.constant 2.000000e-02 : f32
    %mul3A_17 = vector.broadcast %mul3A : f32 to vector<512x64xf32>
    %mul3A_18 = arith.mulf %get3A_16, %mul3A_17 : vector<512x64xf32>
    %concatenate3A = tpu.concatenate %get3A_1, %get3A_4, %get3A_7, %get3A_10, %get3A_13, %mul3A_18 in 1 : vector<512x64xf32>, vector<512x64xf32>, vector<512x64xf32>, vector<512x64xf32>, vector<512x64xf32>, vector<512x64xf32> -> vector<512x384xf32>
    %get3A_19 = arith.constant 0 : index
    %get3A_20 = arith.constant 0 : index
    %get3A_21 = vector.load %arg7[%get3A_19, %get3A_20] : memref<384x384xf32, #tpu.memory_space<vmem>>, vector<384x384xf32>
    %dot_general3A = arith.constant dense<0.000000e+00> : vector<512x384xf32>
    %dot_general3A_22 = tpu.matmul %concatenate3A, %get3A_21, %dot_general3A {dimension_numbers = #tpu.dot_dimension_numbers<[1], [0], [0], [1], [0, 0, 1, 1], [], []>, transpose_lhs_hint = false} : vector<512x384xf32>, vector<384x384xf32>, vector<512x384xf32> -> vector<512x384xf32>
    %get3A_23 = arith.constant 0 : index
    %get3A_24 = arith.constant 0 : index
    %get3A_25 = vector.load %arg8[%get3A_23, %get3A_24] : memref<1x384xf32, #tpu.memory_space<vmem>>, vector<1x384xf32>
    %add3A = vector.broadcast %get3A_25 : vector<1x384xf32> to vector<512x384xf32>
    %add3A_26 = arith.addf %dot_general3A_22, %add3A : vector<512x384xf32>
    %max3A = arith.constant 0.000000e+00 : f32
    %max3A_27 = vector.broadcast %max3A : f32 to vector<512x384xf32>
    %max3A_28 = arith.maximumf %add3A_26, %max3A_27 : vector<512x384xf32>
    %get3A_29 = arith.constant 0 : index
    %get3A_30 = arith.constant 0 : index
    %get3A_31 = vector.load %arg9[%get3A_29, %get3A_30] : memref<384x384xf32, #tpu.memory_space<vmem>>, vector<384x384xf32>
    %dot_general3A_32 = arith.constant dense<0.000000e+00> : vector<512x384xf32>
    %dot_general3A_33 = tpu.matmul %max3A_28, %get3A_31, %dot_general3A_32 {dimension_numbers = #tpu.dot_dimension_numbers<[1], [0], [0], [1], [0, 0, 1, 1], [], []>, transpose_lhs_hint = false} : vector<512x384xf32>, vector<384x384xf32>, vector<512x384xf32> -> vector<512x384xf32>
    %get3A_34 = arith.constant 0 : index
    %get3A_35 = arith.constant 0 : index
    %get3A_36 = vector.load %arg10[%get3A_34, %get3A_35] : memref<1x384xf32, #tpu.memory_space<vmem>>, vector<1x384xf32>
    %add3A_37 = vector.broadcast %get3A_36 : vector<1x384xf32> to vector<512x384xf32>
    %add3A_38 = arith.addf %dot_general3A_33, %add3A_37 : vector<512x384xf32>
    %max3A_39 = arith.constant 0.000000e+00 : f32
    %max3A_40 = vector.broadcast %max3A_39 : f32 to vector<512x384xf32>
    %max3A_41 = arith.maximumf %add3A_38, %max3A_40 : vector<512x384xf32>
    %get3A_42 = arith.constant 0 : index
    %get3A_43 = arith.constant 0 : index
    %get3A_44 = vector.load %arg11[%get3A_42, %get3A_43] : memref<384x1xf32, #tpu.memory_space<vmem>>, vector<384x1xf32>
    %dot_general3A_45 = arith.constant dense<0.000000e+00> : vector<512x1xf32>
    %dot_general3A_46 = tpu.matmul %max3A_41, %get3A_44, %dot_general3A_45 {dimension_numbers = #tpu.dot_dimension_numbers<[1], [0], [0], [1], [0, 0, 1, 1], [], []>, transpose_lhs_hint = false} : vector<512x384xf32>, vector<384x1xf32>, vector<512x1xf32> -> vector<512x1xf32>
    %get3A_47 = arith.constant 0 : index
    %get3A_48 = arith.constant 0 : index
    %get3A_49 = vector.load %arg12[%get3A_47, %get3A_48] : memref<1x1xf32, #tpu.memory_space<vmem>>, vector<1x1xf32>
    %add3A_50 = vector.broadcast %get3A_49 : vector<1x1xf32> to vector<512x1xf32>
    %add3A_51 = arith.addf %dot_general3A_46, %add3A_50 : vector<512x1xf32>
    %logistic3A = arith.negf %add3A_51 : vector<512x1xf32>
    %logistic3A_52 = math.exp %logistic3A : vector<512x1xf32>
    %logistic3A_53 = arith.constant 1.000000e+00 : f32
    %logistic3A_54 = vector.broadcast %logistic3A_53 : f32 to vector<512x1xf32>
    %logistic3A_55 = arith.addf %logistic3A_54, %logistic3A_52 : vector<512x1xf32>
    %logistic3A_56 = arith.divf %logistic3A_54, %logistic3A_55 : vector<512x1xf32>
    %swap3A = arith.constant 0 : index
    %swap3A_57 = arith.constant 0 : index
    %swap3A_58 = vector.load %arg13[%swap3A, %swap3A_57] : memref<512x1xf32, #tpu.memory_space<vmem>>, vector<512x1xf32>
    tpu.vector_store %arg13[%swap3A, %swap3A_57], %logistic3A_56 {strides = array<i32>} : memref<512x1xf32, #tpu.memory_space<vmem>>, vector<512x1xf32>,
    return
  }
  func.func @transform_0(%arg0: i32) -> (i32, i32) {
    %c0_i32 = arith.constant 0 : i32
    %c0_i32_0 = arith.constant 0 : i32
    return %arg0, %c0_i32 : i32, i32
  }
  func.func @transform_1(%arg0: i32) -> (i32, i32) {
    %c0_i32 = arith.constant 0 : i32
    %c0_i32_0 = arith.constant 0 : i32
    return %arg0, %c0_i32 : i32, i32
  }
  func.func @transform_2(%arg0: i32) -> (i32, i32) {
    %c0_i32 = arith.constant 0 : i32
    %c0_i32_0 = arith.constant 0 : i32
    return %arg0, %c0_i32 : i32, i32
  }
  func.func @transform_3(%arg0: i32) -> (i32, i32) {
    %c0_i32 = arith.constant 0 : i32
    %c0_i32_0 = arith.constant 0 : i32
    return %arg0, %c0_i32 : i32, i32
  }
  func.func @transform_4(%arg0: i32) -> (i32, i32) {
    %c0_i32 = arith.constant 0 : i32
    %c0_i32_0 = arith.constant 0 : i32
    return %arg0, %c0_i32 : i32, i32
  }
  func.func @transform_5(%arg0: i32) -> (i32, i32) {
    %c0_i32 = arith.constant 0 : i32
    %c0_i32_0 = arith.constant 0 : i32
    return %arg0, %c0_i32 : i32, i32
  }
  func.func @transform_6(%arg0: i32) -> (i32, i32) {
    %c0_i32 = arith.constant 0 : i32
    %c0_i32_0 = arith.constant 0 : i32
    %c0_i32_1 = arith.constant 0 : i32
    return %c0_i32, %c0_i32_0 : i32, i32
  }
  func.func @transform_7(%arg0: i32) -> (i32, i32) {
    %c0_i32 = arith.constant 0 : i32
    %c0_i32_0 = arith.constant 0 : i32
    %c0_i32_1 = arith.constant 0 : i32
    return %c0_i32, %c0_i32_0 : i32, i32
  }
  func.func @transform_8(%arg0: i32) -> (i32, i32) {
    %c0_i32 = arith.constant 0 : i32
    %c0_i32_0 = arith.constant 0 : i32
    %c0_i32_1 = arith.constant 0 : i32
    return %c0_i32, %c0_i32_0 : i32, i32
  }
  func.func @transform_9(%arg0: i32) -> (i32, i32) {
    %c0_i32 = arith.constant 0 : i32
    %c0_i32_0 = arith.constant 0 : i32
    %c0_i32_1 = arith.constant 0 : i32
    return %c0_i32, %c0_i32_0 : i32, i32
  }
  func.func @transform_10(%arg0: i32) -> (i32, i32) {
    %c0_i32 = arith.constant 0 : i32
    %c0_i32_0 = arith.constant 0 : i32
    %c0_i32_1 = arith.constant 0 : i32
    return %c0_i32, %c0_i32_0 : i32, i32
  }
  func.func @transform_11(%arg0: i32) -> (i32, i32) {
    %c0_i32 = arith.constant 0 : i32
    %c0_i32_0 = arith.constant 0 : i32
    %c0_i32_1 = arith.constant 0 : i32
    return %c0_i32, %c0_i32_0 : i32, i32
  }
  func.func @transform_12(%arg0: i32) -> (i32, i32) {
    %c0_i32 = arith.constant 0 : i32
    %c0_i32_0 = arith.constant 0 : i32
    return %arg0, %c0_i32 : i32, i32
  }
}

</mosaic_0001>

<sc_bundles>
// kernel: kernel.5.cloned.1.call-start
scs
__scs_entry_jumppad:
0x0: {  	(pc) =	sbr.rel $0x88, $3  }
0x1: {  	(tag) =	ssettag $0x0;
	lr =	simm.s32 $0x1  }
0x2: {  	[smem:$0x3F8F] =	sst lr;
	_ =	strace $0xD0000000  }
0x3: {  	_ = 	snop  }
0x4: {  	_ = 	snop  }
0x5: {  	_ = 	snop  }
0x6: {  	_ = 	snop  }
0x7: {  	_ = 	snop  }
__scs_overlays_trampoline_lowered:
0x8: {  	[smem:$0x3F9E] =	sst s0  }
0x9: {  	[smem:$0x3F9F] =	sst s1  }
0xa: {  	[smem:$0x3FA0] =	sst s2  }
0xb: {  	[smem:$0x3FA1] =	sst s3  }
0xc: {  	[smem:$0x3FA2] =	sst s4  }
0xd: {  	[smem:$0x3FA3] =	sst s5  }
0xe: {  	[smem:$0x3FA4] =	sst s6  }
0xf: {  	[smem:$0x3FA5] =	sst s7  }
0x10: {  	[smem:$0x3FA6] =	sst s8  }
0x11: {  	[smem:$0x3FA7] =	sst s9;
	s0 =	simm.s32 @!p0 $0x0  }
0x12: {  	s1 =	sld [smem:$0x3F8D];
	s0 =	simm.s32 @p0 $0x1  }
0x13: {  	[smem:$0x3FA8] =	sst s0;
	s0 =	simm.s32 @!p1 $0x0  }
0x14: {  	s2 =	sld [smem:$0x3F8C];
	s0 =	simm.s32 @p1 $0x1  }
0x15: {  	[smem:$0x3FA9] =	sst s0;
	s0 =	simm.s32 @!p2 $0x0  }
0x16: {  	s3 =	sld [smem:$0x3FDB];
	s0 =	simm.s32 @p2 $0x1  }
0x17: {  	s4 =	simm.s32 $0x1BF5;
	[smem:$0x3FAB] =	sst s0  }
0x18: {  	s0 =	sld [smem:$0x3F8E];
	_ =	swait.ge [sflag:s4], $0x0  }
0x19: {  	s7 =	sld [smem:$0x3F8F]  }
0x1a: {  	s8 =	sadd.s32 $0xFFFFE003, lr  }
0x1b: {  	s9 =	sadd.s32 $0xFFFFFEF7, lr;
	s5 =	simm.s32 $0xFFFFFFFF;
	p2 =	slt.u32 s8, $0xFFFFF086  }
0x1c: {  	p1 =	slt.u32 s9, $0xF7A;
	s5 =	simm.s32 @!p2 $0x0  }
0x1d: {  	s5 =	simm.s32 @p1 $0x1;
	p0 =	seq.s32 s7, s2  }
0x1e: {  	s7 =	smul.u32 @!p0 $0xF7A, s2;
	p2 =	seq.s32 @!p0 s5, $0x0  }
0x1f: {  	s9 =	smul.u32 $0xF7A, s1;
	s8 =	simm.s32 @!p0 $0x1BF5;
	p2 =	por !p2, p0  }
0x20: {  	[sflag:s8] =	ssyncset.s32 @!p0 $0xFFFFF086;
	s6 =	sadd.s32 @!p0 s3, s7;
	s7 =	simm.s32 @!p0 $0x108  }
0x21: {  	s3 =	sadd.s32 s3, s9;
	s6 =	sadd.s32 @!p0 $0x88, s6;
	s7 =	simm.s32 @p2 $0x1082  }
0x22: {  	[simem:s7], [sflag:s8] =	dma.local @!p0 [hbm:s6], $0xF7A  }
0x23: {  	s9 =	sor.u32 $0xD0000000, s2;
	s6 =	simm.s32 $0x108;
	_ =	swait.ge @!p0 [sflag:s8], $0x0  }
0x24: {  	s3 =	sadd.s32 $0x88, s3;
	s6 =	simm.s32 @!p1 $0x1082;
	[sflag:s4] =	ssyncset.s32 $0xFFFFF086  }
0x25: {  	[simem:s6], [sflag:s4] =	dma.local [hbm:s3], $0xF7A  }
0x26: {  	[smem:$0x3F8F] =	sst s1;
	(tag) =	ssettag s2;
	_ =	strace s9  }
0x27: {  	s1 =	sld [smem:$0x3F9F]  }
0x28: {  	s2 =	sld [smem:$0x3FA0]  }
0x29: {  	s4 =	sld [smem:$0x3FA2]  }
0x2a: {  	p0 =	seq.s32 s5, $0x0;
	s5 =	sld [smem:$0x3FA3]  }
0x2b: {  	s6 =	sld [smem:$0x3FA4]  }
0x2c: {  	s7 =	sld [smem:$0x3FA5]  }
0x2d: {  	s3 =	simm.s32 $0x108;
	s8 =	sld [smem:$0x3FA6]  }
0x2e: {  	s3 =	simm.s32 @!p0 $0x1082;
	s9 =	sld [smem:$0x3FA7]  }
0x2f: {  	lr =	sadd.s32 s0, s3;
	s0 =	sld [smem:$0x3F9E]  }
0x30: {  	s3 =	sld [smem:$0x3FA1]  }
0x31: {  	[smem:$0x3FAA] =	sst s10  }
0x32: {  	s10 =	sld [smem:$0x3FA8];
	_ =	sdelay $0x3  }
0x33: {  	p0 =	seq.s32 s10, $0x1;
	s10 =	sld [smem:$0x3FAA];
	_ =	sdelay $0x3  }
0x34: {  	[smem:$0x3FAA] =	sst s10  }
0x35: {  	s10 =	sld [smem:$0x3FA9];
	_ =	sdelay $0x3  }
0x36: {  	p1 =	seq.s32 s10, $0x1;
	s10 =	sld [smem:$0x3FAA];
	_ =	sdelay $0x3  }
0x37: {  	[smem:$0x3FAA] =	sst s10  }
0x38: {  	s10 =	sld [smem:$0x3FAB]  }
0x39: {  	_ = 	snop;
	(pc) =	sbr.ind lr, $3  }
0x3a: {  	_ = 	snop  }
0x3b: {  	_ = 	snop  }
0x3c: {  	p2 =	seq.s32 s10, $0x1;
	s10 =	sld [smem:$0x3FAA]  }
0x3d: {  	_ =	shalt  }
0x3e: {  	_ =	shalt  }
0x3f: {  	_ =	shalt  }
0x40: {  	_ =	shalt  }
0x41: {  	_ =	shalt  }
0x42: {  	_ =	shalt  }
0x43: {  	_ =	shalt  }
0x44: {  	_ =	shalt  }
0x45: {  	_ =	shalt  }
0x46: {  	_ =	shalt  }
0x47: {  	_ =	shalt  }
0x48: {  	_ =	shalt  }
0x49: {  	_ =	shalt  }
0x4a: {  	_ =	shalt  }
0x4b: {  	_ =	shalt  }
0x4c: {  	_ =	shalt  }
0x4d: {  	_ =	shalt  }
0x4e: {  	_ =	shalt  }
0x4f: {  	_ =	shalt  }
0x50: {  	_ =	shalt  }
0x51: {  	_ =	shalt  }
0x52: {  	_ =	shalt  }
0x53: {  	_ =	shalt  }
0x54: {  	_ =	shalt  }
0x55: {  	_ =	shalt  }
0x56: {  	_ =	shalt  }
0x57: {  	_ =	shalt  }
0x58: {  	_ =	shalt  }
0x59: {  	_ =	shalt  }
0x5a: {  	_ =	shalt  }
0x5b: {  	_ =	shalt  }
0x5c: {  	_ =	shalt  }
0x5d: {  	_ =	shalt  }
0x5e: {  	_ =	shalt  }
0x5f: {  	_ =	shalt  }
0x60: {  	_ =	shalt  }
0x61: {  	_ =	shalt  }
0x62: {  	_ =	shalt  }
0x63: {  	_ =	shalt  }
0x64: {  	_ =	shalt  }
0x65: {  	_ =	shalt  }
0x66: {  	_ =	shalt  }
0x67: {  	_ =	shalt  }
0x68: {  	_ =	shalt  }
0x69: {  	_ =	shalt  }
0x6a: {  	_ =	shalt  }
0x6b: {  	_ =	shalt  }
0x6c: {  	_ =	shalt  }
0x6d: {  	_ =	shalt  }
0x6e: {  	_ =	shalt  }
0x6f: {  	_ =	shalt  }
0x70: {  	_ =	shalt  }
0x71: {  	_ =	shalt  }
0x72: {  	_ =	shalt  }
0x73: {  	_ =	shalt  }
0x74: {  	_ =	shalt  }
0x75: {  	_ =	shalt  }
0x76: {  	_ =	shalt  }
0x77: {  	_ =	shalt  }
0x78: {  	_ =	shalt  }
0x79: {  	_ =	shalt  }
0x7a: {  	_ =	shalt  }
0x7b: {  	_ =	shalt  }
0x7c: {  	_ =	shalt  }
0x7d: {  	_ =	shalt  }
0x7e: {  	_ =	shalt  }
0x7f: {  	_ =	shalt  }
0x80: {  	_ =	shalt  }
0x81: {  	_ =	shalt  }
0x82: {  	_ =	shalt  }
0x83: {  	_ =	shalt  }
0x84: {  	_ =	shalt  }
0x85: {  	_ =	shalt  }
0x86: {  	_ =	shalt  }
0x87: {  	_ =	shalt  }
.Lfunc_end0:
.L_simem_size_0:
called_computation_lowered:
.L_overlay_start_0:
0x88: {  	s2 =	sld [smem:$0x3FD9]  }
0x89: {  	s3 =	sld [smem:$0x3FFE];
	_ =	sdelay $0x1  }
0x8a: {  	s1 =	srdreg.scid  }
0x8b: {  	s0 =	sand.u32 $0x1, s1  }
0x8c: {  	s16 =	sshll.u32 s0, $0xA;
	s2 =	sadd.s32 s3, s2  }
0x8d: {  	s2 =	sadd.s32 s2, s16  }
0x8e: {  	[smem:$0x3FB6] =	sst s2  }
0x8f: {  	_ = 	snop  }
0x90: {  	(tm) =	ssettm $0x1  }
0x91: {  	s17 =	sld [smem:$0x3FFB];
	_ =	sdelay $0x3  }
0x92: {  	_ =	strace s17  }
0x93: {  	s2 =	sld [smem:$0x3FFC];
	_ =	sdelay $0x3  }
0x94: {  	_ =	strace s2  }
0x95: {  	s2 =	sld [smem:$0x3FFD];
	_ =	sdelay $0x3  }
0x96: {  	_ =	strace s2  }
0x97: {  	_ =	strace $0x8FFFFFFF  }
0x98: {  	s18 =	sld [smem:$0x3FDB];
	_ =	sdelay $0x1  }
0x99: {  	s19 =	simm.s32 $_scs_section_size  }
0x9a: {  	s4 =	simm.s32 $_size__tile_overlayer_lowered;
	s5 =	simm.s32 $_tile_overlayer_lowered  }
0x9b: {  	s22 =	simm.s32 $0x1BFF;
	s21 =	sshll.u32 s5, $0x1;
	s2 =	sadd.s32 s19, s18  }
0x9c: {  	s6 =	simm.s32 $0x0;
	s20 =	sshll.u32 s4, $0x1;
	s4 =	sadd.s32 s21, s2  }
0x9d: {  	[timem:s6], [sflag:s22] =	dma.local [hbm:s4], s20  }
0x9e: {  	_ =	swait.ge [sflag:s22], s20  }
0x9f: {  	s3 =	ssub.s32 $0x0, s20;
	[sflag:s22] =	ssyncset.done $0x0  }
0xa0: {  	[sflag:s22] =	ssyncadd.s32 s3;
	_ =	sdelay $0x1  }
0xa1: {  	s23 =	simm.s32 $0x1B8B  }
0xa2: {  	_ =	swait.ge [sflag:s23], $0x1  }
0xa3: {  	[sflag:s23] =	ssyncset.done $0x0  }
0xa4: {  	s25 =	simm.s32 $0x1B8E;
	s24 =	sld [smem:$0x3FFE];
	[sflag:s23] =	ssyncadd.s32 $0xFFFFFFFF  }
0xa5: {  	s26 =	simm.s32 $execute0_lowered;
	[smem:$0x3FD2] =	sst s25  }
0xa6: {  	s4 =	sshll.u32 s26, $0x1;
	_ =	strace $0x80000046;
	[dreg:$0x1] =	wrdreg $0xFFFFFFFF  }
0xa7: {  	s28 =	simm.s32 $_size_execute0_lowered;
	s2 =	sadd.s32 s2, s4;
	[dreg:$0x0] =	wrdreg $0x0  }
0xa8: {  	s4 =	sshll.u32 s28, $0x1;
	[dreg:$0x2] =	wrdreg s2  }
0xa9: {  	[dreg:$0x3] =	wrdreg s4  }
0xaa: {  	[dreg:$0x4] =	wrdreg $0xC0  }
0xab: {  	_ =	task [dreg:s6], $0x5FFFF  }
0xac: {  	[dreg:$0x1] =	wrdreg $0xFFFFFFFF  }
0xad: {  	[dreg:$0x0] =	wrdreg $0x60  }
0xae: {  	[dreg:$0x2] =	wrdreg s24  }
0xaf: {  	[dreg:$0x3] =	wrdreg $0x178000  }
0xb0: {  	[dreg:$0x4] =	wrdreg $0x9  }
0xb1: {  	_ =	task.clear_ibuf [dreg:s6], $0x5FFFF;
	_ =	strace $0x90000046  }
0xb2: {  	s29 =	simm.s32 $0x9;
	_ =	strace $0x80000048  }
0xb3: {  	_ =	swait.ge [sflag:s29], $0x1  }
0xb4: {  	[sflag:s29] =	ssyncadd.s32 $0xFFFFFFFF  }
0xb5: {  	_ =	strace $0x90000048  }
0xb6: {  	_ =	sfence  }
0xb7: {  	s30 =	sld [smem:$0x0];
	_ =	sdelay $0x2  }
0xb8: {  	s31 =	sshll.u32 s1, $0xD;
	s1 =	sshrl.u32 s1, $0x2  }
0xb9: {  	s3 =	sand.u32 $0x4000, s31;
	s1 =	sadd.s32 s1, s30  }
0xba: {  	s0 =	sor.u32 s3, s0;
	s1 =	sshll.u32 s1, $0x11  }
0xbb: {  	s0 =	sor.u32 s1, s0  }
0xbc: {  	s0 =	sadd.s32 $0x8F2B, s0  }
0xbd: {  	[sflag:s0] =	ssyncadd.remote.s32 $0x1  }
0xbe: {  	_ =	sfence.sel $0xFFFF  }
0xbf: {  	[dreg:$0x0] =	wrdreg $0xFFFFFFFF;
	(pc) =	sbr.abs _section_cstart, $3  }
0xc0: {  	[dreg:$0x1] =	wrdreg $0xFFFFFFFF  }
0xc1: {  	_ =	task.clear_ibuf [dreg:s6], $0x2FFFF;
	_ =	strace $0x9FFFFFFF  }
0xc2: {  	(tm) =	ssettm $0x7FFFFFFF  }
0xc3: {  	_ =	shalt  }
tec
execute0_lowered:
.L_overlay_start_1:
0x0: {  	(tag) =	ssettag $0x1  }
0x1: {  	s0 =	srdreg.scid  }
0x2: {  	s9 =	stileid.u32;
	s1 =	rddreg [dreg:$0x0]  }
0x3: {  	s2 =	rddreg [dreg:$0x1];
	s14 =	simm.s32 $0x1;
	s15 =	simm.s32 $0x80  }
0x4: {  	s16 =	simm.s32 $0x3800;
	s17 =	simm.s32 $0x7800;
	s19 =	simm.s32 $0xB800  }
0x5: {  	s21 =	simm.s32 $0xF800;
	s28 =	simm.s32 $0x5;
	s29 =	simm.s32 $0x6  }
0x6: {  	s30 =	simm.s32 $0x7;
	s31 =	simm.s32 $0x8;
	s12 =	simm.s32 $0xB  }
0x7: {  	s22 =	simm.s32 $0xC;
	s18 =	simm.s32 $0x0;
	s0 =	sand.u32 $0x1, s0  }
0x8: {  	s3 =	sshll.u32 s9, $0x1;
	s6 =	smul.u32 $0x380, s9;
	s23 =	sadd.s32 $0xCE00, s1  }
0x9: {  	s26 =	sshll.u32 s9, $0xE;
	s4 =	sor.u32 s0, s3;
	s3 =	simm.s32 $0x0  }
0xa: {  	s0 =	ssub.s32 $0x2, s0;
	s5 =	smul.u32 $0x380, s4;
	[smem:$0x7FF] =	sst s3  }
0xb: {  	s8 =	sadd.s32 s6, s1;
	s4 =	sshll.u32 s4, $0xB;
	s24 =	sshrl.u32 s0, $0x1  }
0xc: {  	_ =	strace $0x80000047;
	[dreg:$0x3] =	wrdreg s23;
	s0 =	ssub.s32 s0, s24  }
0xd: {  	s23 =	simm.s32 $0x13800;
	s24 =	simm.s32 $0x2;
	s7 =	sadd.s32 s5, s1  }
0xe: {  	s5 =	sadd.s32 $0x197000, s1;
	s1 =	sadd.s32 s4, s1;
	s4 =	sadd.s32 s26, s2  }
0xf: {  	s11 =	smax.u32 s0, $0x1;
	s26 =	simm.s32 $0x4;
	s0 =	simm.s32 $0xA  }
0x10: {  	s25 =	sadd.s32 $0x5E00, s7;
	s7 =	sadd.s32 $0x193800, s8;
	s8 =	sshll.u32 s9, $0x6  }
0x11: {  	s10 =	sadd.s32 $0xD600, s1;
	s13 =	sshrl.u32 s4, $0x3;
	s1 =	simm.s32 $0x9  }
0x12: {  	[dreg:$0x4] =	wrdreg s25;
	s9 =	sor.u32 $0x1C01, s8;
	s25 =	simm.s32 $0x3  }
.LBB2_1:
0x13: {  	s4 =	rddreg [dreg:$0x4]  }
0x14: {  	[tilespmem:s3], [sflag:$0x1] =	stream.linear.gather [hbm4b:s4+s3], $0x1900, $0x38;
	[tilespmem:$0x1B800] =	vst v63  }
0x15: {  	s6 =	simm.s32 $0x1C00;
	s20 =	rddreg [dreg:$0x3]  }
0x16: {  	[tilespmem:s6], [sflag:$0x1] =	stream.linear.gather [hbm4b:s7+s3], $0x1900, $0x38;
	[tilespmem:$0x1B800] =	vst v63  }
0x17: {  	[spmem:s13], [sflag:s9] =	dma.local [hbm:s20], $0x800  }
0x18: {  	_ =	swait.ge [sflag:s14], $0x1900  }
0x19: {  	[sflag:s14] =	ssyncset.done $0x0  }
0x1a: {  	[sflag:s14] =	ssyncadd.s32 $0xFFFFE700  }
0x1b: {  	_ =	swait.ge [sflag:s14], $0x1900  }
0x1c: {  	[sflag:s14] =	ssyncset.done $0x0  }
0x1d: {  	[sflag:s14] =	ssyncadd.s32 $0xFFFFE700  }
0x1e: {  	_ =	swait.ge [sflag:s14], $0x800  }
0x1f: {  	[sflag:s14] =	ssyncset.done $0x0  }
0x20: {  	[sflag:s14] =	ssyncadd.s32 $0xFFFFF800  }
0x21: {  	[tilespmem:s16], [sflag:$0x2] =	stream.indirect.gather [hbm4b:s5+s15], $0x80, s3, s15, $0xb8;
	[tilespmem:$0x1B800] =	vst v63  }
0x22: {  	_ = 	snop  }
0x23: {  	[tilespmem:s17], [sflag:$0x3] =	stream.indirect.gather [hbm4b:s5+s15], $0x80, s15, s15, $0xb8;
	[tilespmem:$0x1B800] =	vst v63  }
0x24: {  	s6 =	simm.s32 $0x100  }
0x25: {  	[tilespmem:s19], [sflag:$0x4] =	stream.indirect.gather [hbm4b:s5+s15], $0x80, s6, s15, $0xb8;
	[tilespmem:$0x1B800] =	vst v63  }
0x26: {  	s20 =	simm.s32 $0x180  }
0x27: {  	[tilespmem:s21], [sflag:$0x5] =	stream.indirect.gather [hbm4b:s5+s15], $0x80, s20, s15, $0xb8;
	[tilespmem:$0x1B800] =	vst v63  }
0x28: {  	s6 =	simm.s32 $0x200  }
0x29: {  	[tilespmem:s23], [sflag:$0x6] =	stream.indirect.gather [hbm4b:s5+s15], $0x80, s6, s15, $0xb8;
	[tilespmem:$0x1B800] =	vst v63  }
0x2a: {  	_ =	swait.ge [sflag:s24], $0x4000  }
0x2b: {  	[sflag:s24] =	ssyncset.done $0x0  }
0x2c: {  	s20 =	simm.s32 $0x1C00;
	[sflag:s24] =	ssyncadd.s32 $0xFFFFC000  }
0x2d: {  	[spmem:s2] =	stream.indirect.scatter.add.f32 [tilespmem:s16], [sflag:$0x7], $0x80, s20, s15, $0xb8;
	[tilespmem:$0x1B800] =	vst v63  }
0x2e: {  	_ =	swait.ge [sflag:s25], $0x4000  }
0x2f: {  	[sflag:s25] =	ssyncset.done $0x0  }
0x30: {  	s6 =	simm.s32 $0x1C80;
	[sflag:s25] =	ssyncadd.s32 $0xFFFFC000  }
0x31: {  	[spmem:s2] =	stream.indirect.scatter.add.f32 [tilespmem:s17], [sflag:$0x8], $0x80, s6, s15, $0xb8;
	[tilespmem:$0x1B800] =	vst v63  }
0x32: {  	_ =	swait.ge [sflag:s26], $0x4000  }
0x33: {  	[sflag:s26] =	ssyncset.done $0x0  }
0x34: {  	s20 =	simm.s32 $0x1D00;
	[sflag:s26] =	ssyncadd.s32 $0xFFFFC000  }
0x35: {  	[spmem:s2] =	stream.indirect.scatter.add.f32 [tilespmem:s19], [sflag:$0x9], $0x80, s20, s15, $0xb8;
	[tilespmem:$0x1B800] =	vst v63  }
0x36: {  	_ =	swait.ge [sflag:s28], $0x4000  }
0x37: {  	[sflag:s28] =	ssyncset.done $0x0  }
0x38: {  	s6 =	simm.s32 $0x1D80;
	[sflag:s28] =	ssyncadd.s32 $0xFFFFC000  }
0x39: {  	[spmem:s2] =	stream.indirect.scatter.add.f32 [tilespmem:s21], [sflag:$0xA], $0x80, s6, s15, $0xb8;
	[tilespmem:$0x1B800] =	vst v63  }
0x3a: {  	_ =	swait.ge [sflag:s29], $0x4000  }
0x3b: {  	[sflag:s29] =	ssyncset.done $0x0  }
0x3c: {  	s20 =	simm.s32 $0x1E00;
	[sflag:s29] =	ssyncadd.s32 $0xFFFFC000  }
0x3d: {  	[spmem:s2] =	stream.indirect.scatter.add.f32 [tilespmem:s23], [sflag:$0xB], $0x80, s20, s15, $0xb8;
	[tilespmem:$0x1B800] =	vst v63  }
0x3e: {  	_ =	swait.ge [sflag:s30], $0x4000  }
0x3f: {  	[sflag:s30] =	ssyncset.done $0x0  }
0x40: {  	s6 =	simm.s32 $0x280;
	[sflag:s30] =	ssyncadd.s32 $0xFFFFC000  }
0x41: {  	[tilespmem:s16], [sflag:$0x2] =	stream.indirect.gather [hbm4b:s5+s15], $0x80, s6, s15, $0xb8;
	[tilespmem:$0x1B800] =	vst v63  }
0x42: {  	_ =	swait.ge [sflag:s31], $0x4000  }
0x43: {  	[sflag:s31] =	ssyncset.done $0x0  }
0x44: {  	s20 =	simm.s32 $0x300;
	[sflag:s31] =	ssyncadd.s32 $0xFFFFC000  }
0x45: {  	[tilespmem:s17], [sflag:$0x3] =	stream.indirect.gather [hbm4b:s5+s15], $0x80, s20, s15, $0xb8;
	[tilespmem:$0x1B800] =	vst v63  }
0x46: {  	_ =	swait.ge [sflag:s1], $0x4000  }
0x47: {  	[sflag:s1] =	ssyncset.done $0x0  }
0x48: {  	s6 =	simm.s32 $0x380;
	[sflag:s1] =	ssyncadd.s32 $0xFFFFC000  }
0x49: {  	[tilespmem:s19], [sflag:$0x4] =	stream.indirect.gather [hbm4b:s5+s15], $0x80, s6, s15, $0xb8;
	[tilespmem:$0x1B800] =	vst v63  }
0x4a: {  	_ =	swait.ge [sflag:s0], $0x4000  }
0x4b: {  	[sflag:s0] =	ssyncset.done $0x0  }
0x4c: {  	s20 =	simm.s32 $0x400;
	[sflag:s0] =	ssyncadd.s32 $0xFFFFC000  }
0x4d: {  	[tilespmem:s21], [sflag:$0x5] =	stream.indirect.gather [hbm4b:s5+s15], $0x80, s20, s15, $0xb8;
	[tilespmem:$0x1B800] =	vst v63  }
0x4e: {  	_ =	swait.ge [sflag:s12], $0x4000  }
0x4f: {  	[sflag:s12] =	ssyncset.done $0x0  }
0x50: {  	s4 =	simm.s32 $0x480;
	s20 =	simm.s32 $0xA00;
	[sflag:s12] =	ssyncadd.s32 $0xFFFFC000  }
.LBB2_2:
0x51: {  	[tilespmem:s23], [sflag:$0x6] =	stream.indirect.gather [hbm4b:s5+s15], $0x80, s4, s15, $0xb8;
	[tilespmem:$0x1B800] =	vst v63  }
0x52: {  	s4 =	smov.u32 s20  }
0x53: {  	p0 =	sne.s32 s20, $0x5000;
	s20 =	sadd.s32 $0xA00, s20;
	_ =	swait.ge [sflag:s24], $0x4000  }
0x54: {  	s4 =	sshra.s32 s4, $0x2;
	[sflag:s24] =	ssyncset.done $0x0  }
0x55: {  	s6 =	sadd.s32 $0x1C00, s4;
	[sflag:s24] =	ssyncadd.s32 $0xFFFFC000  }
0x56: {  	[spmem:s2] =	stream.indirect.scatter.add.f32 [tilespmem:s16], [sflag:$0x7], $0x80, s6, s15, $0xb8;
	[tilespmem:$0x1B800] =	vst v63  }
0x57: {  	_ =	swait.ge [sflag:s25], $0x4000  }
0x58: {  	[sflag:s25] =	ssyncset.done $0x0  }
0x59: {  	s6 =	sadd.s32 $0x1C80, s4;
	[sflag:s25] =	ssyncadd.s32 $0xFFFFC000  }
0x5a: {  	[spmem:s2] =	stream.indirect.scatter.add.f32 [tilespmem:s17], [sflag:$0x8], $0x80, s6, s15, $0xb8;
	[tilespmem:$0x1B800] =	vst v63  }
0x5b: {  	_ =	swait.ge [sflag:s26], $0x4000  }
0x5c: {  	[sflag:s26] =	ssyncset.done $0x0  }
0x5d: {  	s6 =	sadd.s32 $0x1D00, s4;
	[sflag:s26] =	ssyncadd.s32 $0xFFFFC000  }
0x5e: {  	[spmem:s2] =	stream.indirect.scatter.add.f32 [tilespmem:s19], [sflag:$0x9], $0x80, s6, s15, $0xb8;
	[tilespmem:$0x1B800] =	vst v63  }
0x5f: {  	_ =	swait.ge [sflag:s28], $0x4000  }
0x60: {  	[sflag:s28] =	ssyncset.done $0x0  }
0x61: {  	s6 =	sadd.s32 $0x1D80, s4;
	[sflag:s28] =	ssyncadd.s32 $0xFFFFC000  }
0x62: {  	[spmem:s2] =	stream.indirect.scatter.add.f32 [tilespmem:s21], [sflag:$0xA], $0x80, s6, s15, $0xb8;
	[tilespmem:$0x1B800] =	vst v63  }
0x63: {  	_ =	swait.ge [sflag:s29], $0x4000  }
0x64: {  	[sflag:s29] =	ssyncset.done $0x0  }
0x65: {  	s6 =	sadd.s32 $0x1E00, s4;
	[sflag:s29] =	ssyncadd.s32 $0xFFFFC000  }
0x66: {  	[spmem:s2] =	stream.indirect.scatter.add.f32 [tilespmem:s23], [sflag:$0xB], $0x80, s6, s15, $0xb8;
	[tilespmem:$0x1B800] =	vst v63  }
0x67: {  	_ =	swait.ge [sflag:s30], $0x4000  }
0x68: {  	[sflag:s30] =	ssyncset.done $0x0  }
0x69: {  	s6 =	sadd.s32 $0x280, s4;
	[sflag:s30] =	ssyncadd.s32 $0xFFFFC000  }
0x6a: {  	[tilespmem:s16], [sflag:$0x2] =	stream.indirect.gather [hbm4b:s5+s15], $0x80, s6, s15, $0xb8;
	[tilespmem:$0x1B800] =	vst v63  }
0x6b: {  	_ =	swait.ge [sflag:s31], $0x4000  }
0x6c: {  	[sflag:s31] =	ssyncset.done $0x0  }
0x6d: {  	s6 =	sadd.s32 $0x300, s4;
	[sflag:s31] =	ssyncadd.s32 $0xFFFFC000  }
0x6e: {  	[tilespmem:s17], [sflag:$0x3] =	stream.indirect.gather [hbm4b:s5+s15], $0x80, s6, s15, $0xb8;
	[tilespmem:$0x1B800] =	vst v63  }
0x6f: {  	_ =	swait.ge [sflag:s1], $0x4000  }
0x70: {  	[sflag:s1] =	ssyncset.done $0x0  }
0x71: {  	s6 =	sadd.s32 $0x380, s4;
	[sflag:s1] =	ssyncadd.s32 $0xFFFFC000  }
0x72: {  	[tilespmem:s19], [sflag:$0x4] =	stream.indirect.gather [hbm4b:s5+s15], $0x80, s6, s15, $0xb8;
	[tilespmem:$0x1B800] =	vst v63  }
0x73: {  	_ =	swait.ge [sflag:s0], $0x4000  }
0x74: {  	[sflag:s0] =	ssyncset.done $0x0  }
.Ltmp0:
0x75: {  	s6 =	sadd.s32 $0x400, s4;
	[sflag:s0] =	ssyncadd.s32 $0xFFFFC000;
	(pc) =	sbr.rel @p0 .LBB2_2-.Ltmp0, $4  }
0x76: {  	[tilespmem:s21], [sflag:$0x5] =	stream.indirect.gather [hbm4b:s5+s15], $0x80, s6, s15, $0xb8;
	[tilespmem:$0x1B800] =	vst v63  }
0x77: {  	_ =	swait.ge [sflag:s12], $0x4000  }
0x78: {  	[sflag:s12] =	ssyncset.done $0x0  }
0x79: {  	s4 =	sadd.s32 $0x480, s4;
	[sflag:s12] =	ssyncadd.s32 $0xFFFFC000  }
0x7a: {  	[tilespmem:s23], [sflag:$0x6] =	stream.indirect.gather [hbm4b:s5+s15], $0x80, s4, s15, $0xb8;
	[tilespmem:$0x1B800] =	vst v63  }
0x7b: {  	_ =	swait.ge [sflag:s24], $0x4000  }
0x7c: {  	[sflag:s24] =	ssyncset.done $0x0  }
0x7d: {  	s6 =	simm.s32 $0x3280;
	[sflag:s24] =	ssyncadd.s32 $0xFFFFC000  }
0x7e: {  	[spmem:s2] =	stream.indirect.scatter.add.f32 [tilespmem:s16], [sflag:$0x7], $0x80, s6, s15, $0xb8;
	[tilespmem:$0x1B800] =	vst v63  }
0x7f: {  	_ =	swait.ge [sflag:s25], $0x4000  }
0x80: {  	[sflag:s25] =	ssyncset.done $0x0  }
0x81: {  	s20 =	simm.s32 $0x3300;
	[sflag:s25] =	ssyncadd.s32 $0xFFFFC000  }
0x82: {  	[spmem:s2] =	stream.indirect.scatter.add.f32 [tilespmem:s17], [sflag:$0x8], $0x80, s20, s15, $0xb8;
	[tilespmem:$0x1B800] =	vst v63  }
0x83: {  	_ =	swait.ge [sflag:s26], $0x4000  }
0x84: {  	[sflag:s26] =	ssyncset.done $0x0  }
0x85: {  	s6 =	simm.s32 $0x3380;
	[sflag:s26] =	ssyncadd.s32 $0xFFFFC000  }
0x86: {  	[spmem:s2] =	stream.indirect.scatter.add.f32 [tilespmem:s19], [sflag:$0x9], $0x80, s6, s15, $0xb8;
	[tilespmem:$0x1B800] =	vst v63  }
0x87: {  	_ =	swait.ge [sflag:s28], $0x4000  }
0x88: {  	[sflag:s28] =	ssyncset.done $0x0  }
0x89: {  	s20 =	simm.s32 $0x3400;
	[sflag:s28] =	ssyncadd.s32 $0xFFFFC000  }
0x8a: {  	[spmem:s2] =	stream.indirect.scatter.add.f32 [tilespmem:s21], [sflag:$0xA], $0x80, s20, s15, $0xb8;
	[tilespmem:$0x1B800] =	vst v63  }
0x8b: {  	_ =	swait.ge [sflag:s29], $0x4000  }
0x8c: {  	[sflag:s29] =	ssyncset.done $0x0  }
0x8d: {  	s6 =	simm.s32 $0x3480;
	[sflag:s29] =	ssyncadd.s32 $0xFFFFC000  }
0x8e: {  	[spmem:s2] =	stream.indirect.scatter.add.f32 [tilespmem:s23], [sflag:$0xB], $0x80, s6, s15, $0xb8;
	[tilespmem:$0x1B800] =	vst v63  }
0x8f: {  	_ =	swait.ge [sflag:s30], $0x4000  }
0x90: {  	[sflag:s30] =	ssyncset.done $0x0  }
0x91: {  	[sflag:s30] =	ssyncadd.s32 $0xFFFFC000  }
0x92: {  	_ =	swait.ge [sflag:s31], $0x4000  }
0x93: {  	[sflag:s31] =	ssyncset.done $0x0  }
0x94: {  	[sflag:s31] =	ssyncadd.s32 $0xFFFFC000  }
0x95: {  	_ =	swait.ge [sflag:s1], $0x4000  }
0x96: {  	[sflag:s1] =	ssyncset.done $0x0  }
0x97: {  	[sflag:s1] =	ssyncadd.s32 $0xFFFFC000  }
0x98: {  	_ =	swait.ge [sflag:s0], $0x4000  }
0x99: {  	[sflag:s0] =	ssyncset.done $0x0  }
0x9a: {  	[sflag:s0] =	ssyncadd.s32 $0xFFFFC000  }
0x9b: {  	s18 =	sadd.s32 $0x1, s18;
	_ =	swait.ge [sflag:s12], $0x4000  }
0x9c: {  	p0 =	sne.s32 s18, s11;
	[sflag:s12] =	ssyncset.done $0x0  }
.Ltmp1:
0x9d: {  	s20 =	sor.u32 $0x1C0C, s8;
	[sflag:s12] =	ssyncadd.s32 $0xFFFFC000;
	(pc) =	sbr.rel @p0 .LBB2_1-.Ltmp1, $4  }
0x9e: {  	[hbm:s10], [sflag:s20] =	dma.local [spmem:s13], $0x800  }
0x9f: {  	_ =	swait.ge [sflag:s22], $0x800  }
0xa0: {  	[sflag:s22] =	ssyncset.done $0x0  }
0xa1: {  	[sflag:s22] =	ssyncadd.s32 $0xFFFFF800  }
0xa2: {  	_ =	sfence.sel $0x180000  }
0xa3: {  	[bflag:$0x0] =	sbarrier.arrive $0xFFFF  }
0xa4: {  	_ =	strace $0x90000047  }
0xa5: {  	s0 =	stileid.u32;
	[bflag:$0x2] =	sbarrier.arrive $0xFFFF  }
0xa6: {  	p0 =	sne.s32 s0, $0x0;
	s0 =	rddreg [dreg:$0x2]  }
0xa7: {  	s0 =	sadd.s32 @!p0 $0x100000, s0  }
0xa8: {  	[sflag:s0] =	ssyncadd.tile.s32 @!p0 $0x1;
	_ =	shalt  }
.Lfunc_end2:
_tile_overlayer_lowered:
.L_overlay_start_2:
0xa9: {  	(tag) =	ssettag $0x2  }
0xaa: {  	s0 =	rddreg [dreg:$0x0];
	s2 =	stileid.u32  }
0xab: {  	s1 =	rddreg [dreg:$0x1];
	p0 =	sne.s32 s2, $0x0  }
0xac: {  	s3 =	rddreg [dreg:$0x2];
	[bflag:$0x3] =	sbarrier.arrive $0xFFFF;
	s2 =	simm.s32 @!p0 $0x1C0C  }
0xad: {  	[timem:s3], [sflag:s2] =	dma.local @!p0 [hbm:s0], s1  }
0xae: {  	s0 =	simm.s32 @!p0 $0xC  }
0xaf: {  	_ =	swait.ge @!p0 [sflag:s0], s1  }
0xb0: {  	s1 =	ssub.s32 @!p0 $0x0, s1;
	[sflag:s0] =	ssyncset.done @!p0 $0x0  }
0xb1: {  	[sflag:s0] =	ssyncadd.s32 @!p0 s1  }
0xb2: {  	[bflag:$0x3] =	sbarrier.arrive $0xFFFF  }
0xb3: {  	_ =	shalt  }

// kernel: kernel.8.cloned.1.call-start
scs
__scs_entry_jumppad:
0x0: {  	(pc) =	sbr.rel $0x88, $3  }
0x1: {  	(tag) =	ssettag $0x0;
	lr =	simm.s32 $0x1  }
0x2: {  	[smem:$0x3F8F] =	sst lr;
	_ =	strace $0xD0000000  }
0x3: {  	_ = 	snop  }
0x4: {  	_ = 	snop  }
0x5: {  	_ = 	snop  }
0x6: {  	_ = 	snop  }
0x7: {  	_ = 	snop  }
__scs_overlays_trampoline_lowered:
0x8: {  	[smem:$0x3F9E] =	sst s0  }
0x9: {  	[smem:$0x3F9F] =	sst s1  }
0xa: {  	[smem:$0x3FA0] =	sst s2  }
0xb: {  	[smem:$0x3FA1] =	sst s3  }
0xc: {  	[smem:$0x3FA2] =	sst s4  }
0xd: {  	[smem:$0x3FA3] =	sst s5  }
0xe: {  	[smem:$0x3FA4] =	sst s6  }
0xf: {  	[smem:$0x3FA5] =	sst s7  }
0x10: {  	[smem:$0x3FA6] =	sst s8  }
0x11: {  	[smem:$0x3FA7] =	sst s9;
	s0 =	simm.s32 @!p0 $0x0  }
0x12: {  	s1 =	sld [smem:$0x3F8D];
	s0 =	simm.s32 @p0 $0x1  }
0x13: {  	[smem:$0x3FA8] =	sst s0;
	s0 =	simm.s32 @!p1 $0x0  }
0x14: {  	s2 =	sld [smem:$0x3F8C];
	s0 =	simm.s32 @p1 $0x1  }
0x15: {  	[smem:$0x3FA9] =	sst s0;
	s0 =	simm.s32 @!p2 $0x0  }
0x16: {  	s3 =	sld [smem:$0x3FDB];
	s0 =	simm.s32 @p2 $0x1  }
0x17: {  	s4 =	simm.s32 $0x1BF5;
	[smem:$0x3FAB] =	sst s0  }
0x18: {  	s0 =	sld [smem:$0x3F8E];
	_ =	swait.ge [sflag:s4], $0x0  }
0x19: {  	s7 =	sld [smem:$0x3F8F]  }
0x1a: {  	s8 =	sadd.s32 $0xFFFFE003, lr  }
0x1b: {  	s9 =	sadd.s32 $0xFFFFFEF7, lr;
	s5 =	simm.s32 $0xFFFFFFFF;
	p2 =	slt.u32 s8, $0xFFFFF086  }
0x1c: {  	p1 =	slt.u32 s9, $0xF7A;
	s5 =	simm.s32 @!p2 $0x0  }
0x1d: {  	s5 =	simm.s32 @p1 $0x1;
	p0 =	seq.s32 s7, s2  }
0x1e: {  	s7 =	smul.u32 @!p0 $0xF7A, s2;
	p2 =	seq.s32 @!p0 s5, $0x0  }
0x1f: {  	s9 =	smul.u32 $0xF7A, s1;
	s8 =	simm.s32 @!p0 $0x1BF5;
	p2 =	por !p2, p0  }
0x20: {  	[sflag:s8] =	ssyncset.s32 @!p0 $0xFFFFF086;
	s6 =	sadd.s32 @!p0 s3, s7;
	s7 =	simm.s32 @!p0 $0x108  }
0x21: {  	s3 =	sadd.s32 s3, s9;
	s6 =	sadd.s32 @!p0 $0x88, s6;
	s7 =	simm.s32 @p2 $0x1082  }
0x22: {  	[simem:s7], [sflag:s8] =	dma.local @!p0 [hbm:s6], $0xF7A  }
0x23: {  	s9 =	sor.u32 $0xD0000000, s2;
	s6 =	simm.s32 $0x108;
	_ =	swait.ge @!p0 [sflag:s8], $0x0  }
0x24: {  	s3 =	sadd.s32 $0x88, s3;
	s6 =	simm.s32 @!p1 $0x1082;
	[sflag:s4] =	ssyncset.s32 $0xFFFFF086  }
0x25: {  	[simem:s6], [sflag:s4] =	dma.local [hbm:s3], $0xF7A  }
0x26: {  	[smem:$0x3F8F] =	sst s1;
	(tag) =	ssettag s2;
	_ =	strace s9  }
0x27: {  	s1 =	sld [smem:$0x3F9F]  }
0x28: {  	s2 =	sld [smem:$0x3FA0]  }
0x29: {  	s4 =	sld [smem:$0x3FA2]  }
0x2a: {  	p0 =	seq.s32 s5, $0x0;
	s5 =	sld [smem:$0x3FA3]  }
0x2b: {  	s6 =	sld [smem:$0x3FA4]  }
0x2c: {  	s7 =	sld [smem:$0x3FA5]  }
0x2d: {  	s3 =	simm.s32 $0x108;
	s8 =	sld [smem:$0x3FA6]  }
0x2e: {  	s3 =	simm.s32 @!p0 $0x1082;
	s9 =	sld [smem:$0x3FA7]  }
0x2f: {  	lr =	sadd.s32 s0, s3;
	s0 =	sld [smem:$0x3F9E]  }
0x30: {  	s3 =	sld [smem:$0x3FA1]  }
0x31: {  	[smem:$0x3FAA] =	sst s10  }
0x32: {  	s10 =	sld [smem:$0x3FA8];
	_ =	sdelay $0x3  }
0x33: {  	p0 =	seq.s32 s10, $0x1;
	s10 =	sld [smem:$0x3FAA];
	_ =	sdelay $0x3  }
0x34: {  	[smem:$0x3FAA] =	sst s10  }
0x35: {  	s10 =	sld [smem:$0x3FA9];
	_ =	sdelay $0x3  }
0x36: {  	p1 =	seq.s32 s10, $0x1;
	s10 =	sld [smem:$0x3FAA];
	_ =	sdelay $0x3  }
0x37: {  	[smem:$0x3FAA] =	sst s10  }
0x38: {  	s10 =	sld [smem:$0x3FAB]  }
0x39: {  	_ = 	snop;
	(pc) =	sbr.ind lr, $3  }
0x3a: {  	_ = 	snop  }
0x3b: {  	_ = 	snop  }
0x3c: {  	p2 =	seq.s32 s10, $0x1;
	s10 =	sld [smem:$0x3FAA]  }
0x3d: {  	_ =	shalt  }
0x3e: {  	_ =	shalt  }
0x3f: {  	_ =	shalt  }
0x40: {  	_ =	shalt  }
0x41: {  	_ =	shalt  }
0x42: {  	_ =	shalt  }
0x43: {  	_ =	shalt  }
0x44: {  	_ =	shalt  }
0x45: {  	_ =	shalt  }
0x46: {  	_ =	shalt  }
0x47: {  	_ =	shalt  }
0x48: {  	_ =	shalt  }
0x49: {  	_ =	shalt  }
0x4a: {  	_ =	shalt  }
0x4b: {  	_ =	shalt  }
0x4c: {  	_ =	shalt  }
0x4d: {  	_ =	shalt  }
0x4e: {  	_ =	shalt  }
0x4f: {  	_ =	shalt  }
0x50: {  	_ =	shalt  }
0x51: {  	_ =	shalt  }
0x52: {  	_ =	shalt  }
0x53: {  	_ =	shalt  }
0x54: {  	_ =	shalt  }
0x55: {  	_ =	shalt  }
0x56: {  	_ =	shalt  }
0x57: {  	_ =	shalt  }
0x58: {  	_ =	shalt  }
0x59: {  	_ =	shalt  }
0x5a: {  	_ =	shalt  }
0x5b: {  	_ =	shalt  }
0x5c: {  	_ =	shalt  }
0x5d: {  	_ =	shalt  }
0x5e: {  	_ =	shalt  }
0x5f: {  	_ =	shalt  }
0x60: {  	_ =	shalt  }
0x61: {  	_ =	shalt  }
0x62: {  	_ =	shalt  }
0x63: {  	_ =	shalt  }
0x64: {  	_ =	shalt  }
0x65: {  	_ =	shalt  }
0x66: {  	_ =	shalt  }
0x67: {  	_ =	shalt  }
0x68: {  	_ =	shalt  }
0x69: {  	_ =	shalt  }
0x6a: {  	_ =	shalt  }
0x6b: {  	_ =	shalt  }
0x6c: {  	_ =	shalt  }
0x6d: {  	_ =	shalt  }
0x6e: {  	_ =	shalt  }
0x6f: {  	_ =	shalt  }
0x70: {  	_ =	shalt  }
0x71: {  	_ =	shalt  }
0x72: {  	_ =	shalt  }
0x73: {  	_ =	shalt  }
0x74: {  	_ =	shalt  }
0x75: {  	_ =	shalt  }
0x76: {  	_ =	shalt  }
0x77: {  	_ =	shalt  }
0x78: {  	_ =	shalt  }
0x79: {  	_ =	shalt  }
0x7a: {  	_ =	shalt  }
0x7b: {  	_ =	shalt  }
0x7c: {  	_ =	shalt  }
0x7d: {  	_ =	shalt  }
0x7e: {  	_ =	shalt  }
0x7f: {  	_ =	shalt  }
0x80: {  	_ =	shalt  }
0x81: {  	_ =	shalt  }
0x82: {  	_ =	shalt  }
0x83: {  	_ =	shalt  }
0x84: {  	_ =	shalt  }
0x85: {  	_ =	shalt  }
0x86: {  	_ =	shalt  }
0x87: {  	_ =	shalt  }
.Lfunc_end0:
.L_simem_size_0:
called_computation.1_lowered:
.L_overlay_start_0:
0x88: {  	s2 =	sld [smem:$0x3FD9]  }
0x89: {  	s3 =	sld [smem:$0x3FFE];
	_ =	sdelay $0x1  }
0x8a: {  	s1 =	srdreg.scid  }
0x8b: {  	s0 =	sand.u32 $0x1, s1  }
0x8c: {  	s17 =	sshll.u32 s0, $0xA;
	s2 =	sadd.s32 s3, s2  }
0x8d: {  	s2 =	sadd.s32 s2, s17  }
0x8e: {  	[smem:$0x3FB6] =	sst s2  }
0x8f: {  	_ = 	snop  }
0x90: {  	s18 =	sld [smem:$0x3FC9]  }
0x91: {  	s4 =	sld [smem:$0x3FC8]  }
0x92: {  	s5 =	sld [smem:$0x3FC7]  }
0x93: {  	s6 =	sld [smem:$0x3FC6]  }
0x94: {  	s7 =	sld [smem:$0x3FC5];
	(tm) =	ssettm $0x1  }
0x95: {  	s19 =	sld [smem:$0x3FFB];
	_ =	sdelay $0x3  }
0x96: {  	_ =	strace s19  }
0x97: {  	s2 =	sld [smem:$0x3FFC];
	_ =	sdelay $0x3  }
0x98: {  	_ =	strace s2  }
0x99: {  	s2 =	sld [smem:$0x3FFD];
	_ =	sdelay $0x3  }
0x9a: {  	_ =	strace s2  }
0x9b: {  	_ =	strace $0x8FFFFFFF  }
0x9c: {  	s20 =	sld [smem:$0x3FDB];
	_ =	sdelay $0x1  }
0x9d: {  	s8 =	simm.s32 $_scs_section_size  }
0x9e: {  	s9 =	simm.s32 $_size__tile_overlayer_lowered;
	s10 =	simm.s32 $_tile_overlayer_lowered  }
0x9f: {  	s11 =	simm.s32 $0x1BFF;
	s21 =	sshll.u32 s10, $0x1;
	s8 =	sadd.s32 s8, s20  }
0xa0: {  	s22 =	simm.s32 $0x0;
	s9 =	sshll.u32 s9, $0x1;
	s10 =	sadd.s32 s21, s8  }
0xa1: {  	[timem:s22], [sflag:s11] =	dma.local [hbm:s10], s9  }
0xa2: {  	_ =	swait.ge [sflag:s11], s9  }
0xa3: {  	s9 =	ssub.s32 $0x0, s9;
	[sflag:s11] =	ssyncset.done $0x0  }
0xa4: {  	[sflag:s11] =	ssyncadd.s32 s9;
	_ =	sdelay $0x1  }
0xa5: {  	s23 =	simm.s32 $0x1B8B  }
0xa6: {  	_ =	swait.ge [sflag:s23], $0x1  }
0xa7: {  	[sflag:s23] =	ssyncset.done $0x0  }
0xa8: {  	[sflag:s23] =	ssyncadd.s32 $0xFFFFFFFF  }
0xa9: {  	s9 =	sld [smem:$0x0]  }
0xaa: {  	s10 =	sand.u32 $0xFFFFFFFE, s1  }
0xab: {  	p0 =	sne.s32 s1, s10  }
0xac: {  	s10 =	sshll.u32 @p0 s10, $0xE  }
0xad: {  	s10 =	sadd.s32 @p0 $0x11B8D, s10;
	s11 =	sshll.u32 @p0 s9, $0x11  }
0xae: {  	s10 =	sor.u32 @p0 s11, s10  }
0xaf: {  	[sflag:s10] =	ssyncadd.remote.s32 @p0 $0x1;
	_ =	sdelay $0x1  }
0xb0: {  	s10 =	simm.s32 @p0 $0x1B8D  }
0xb1: {  	_ =	swait.eq @p0 [sflag:s10], $0x1  }
0xb2: {  	[sflag:s10] =	ssyncadd.s32 @p0 $0xFFFFFFFF  }
0xb3: {  	s11 =	sshll.u32 @!p0 s1, $0xE  }
0xb4: {  	s11 =	sor.u32 @!p0 $0x4000, s11;
	s10 =	simm.s32 @!p0 $0x1B8D  }
0xb5: {  	s9 =	sshll.u32 @!p0 s9, $0x11;
	s11 =	sadd.s32 @!p0 $0x11B8D, s11;
	_ =	swait.eq @!p0 [sflag:s10], $0x1  }
0xb6: {  	s9 =	sor.u32 @!p0 s9, s11;
	[sflag:s10] =	ssyncadd.s32 @!p0 $0xFFFFFFFF  }
0xb7: {  	s25 =	simm.s32 $0x1B8E;
	s24 =	sld [smem:$0x3FFE];
	[sflag:s9] =	ssyncadd.remote.s32 @!p0 $0x1  }
0xb8: {  	s26 =	simm.s32 $execute0_lowered;
	[smem:$0x3FD2] =	sst s25  }
0xb9: {  	s10 =	sshll.u32 s26, $0x1;
	_ =	strace $0x80000049;
	[dreg:$0x1] =	wrdreg $0xFFFFFFFF  }
0xba: {  	s28 =	simm.s32 $_size_execute0_lowered;
	s8 =	sadd.s32 s8, s10;
	[dreg:$0x0] =	wrdreg $0x0  }
0xbb: {  	s10 =	sshll.u32 s28, $0x1;
	[dreg:$0x2] =	wrdreg s8  }
0xbc: {  	[dreg:$0x3] =	wrdreg s10  }
0xbd: {  	[dreg:$0x4] =	wrdreg $0xC0  }
0xbe: {  	_ =	task [dreg:s22], $0x5FFFF  }
0xbf: {  	[dreg:$0x1] =	wrdreg $0xFFFFFFFF  }
0xc0: {  	[dreg:$0x0] =	wrdreg $0x60  }
0xc1: {  	[dreg:$0x2] =	wrdreg s18  }
0xc2: {  	[dreg:$0x3] =	wrdreg s4  }
0xc3: {  	[dreg:$0x4] =	wrdreg s5  }
0xc4: {  	[dreg:$0x5] =	wrdreg s6  }
0xc5: {  	[dreg:$0x6] =	wrdreg s7  }
0xc6: {  	[dreg:$0x7] =	wrdreg s24  }
0xc7: {  	[dreg:$0x8] =	wrdreg $0xA  }
0xc8: {  	_ =	task.clear_ibuf [dreg:s22], $0x9FFFF;
	_ =	strace $0x90000049  }
0xc9: {  	s29 =	simm.s32 $0xA;
	_ =	strace $0x8000004B  }
0xca: {  	_ =	swait.ge [sflag:s29], $0x1  }
0xcb: {  	[sflag:s29] =	ssyncadd.s32 $0xFFFFFFFF  }
0xcc: {  	_ =	strace $0x9000004B  }
0xcd: {  	_ =	sfence  }
0xce: {  	s30 =	sld [smem:$0x0];
	_ =	sdelay $0x2  }
0xcf: {  	s31 =	sshll.u32 s1, $0xD;
	s1 =	sshrl.u32 s1, $0x2  }
0xd0: {  	s4 =	sand.u32 $0x4000, s31;
	s1 =	sadd.s32 s1, s30  }
0xd1: {  	s0 =	sor.u32 s4, s0;
	s1 =	sshll.u32 s1, $0x11  }
0xd2: {  	s0 =	sor.u32 s1, s0  }
0xd3: {  	s0 =	sadd.s32 $0x8F2B, s0  }
0xd4: {  	[sflag:s0] =	ssyncadd.remote.s32 $0x1  }
0xd5: {  	_ =	sfence.sel $0xFFFF  }
0xd6: {  	[dreg:$0x0] =	wrdreg $0xFFFFFFFF;
	(pc) =	sbr.abs _section_cstart, $3  }
0xd7: {  	[dreg:$0x1] =	wrdreg $0xFFFFFFFF  }
0xd8: {  	_ =	task.clear_ibuf [dreg:s22], $0x2FFFF;
	_ =	strace $0x9FFFFFFF  }
0xd9: {  	(tm) =	ssettm $0x7FFFFFFF  }
tec
execute0_lowered:
.L_overlay_start_1:
0x0: {  	(tag) =	ssettag $0x1  }
0x1: {  	s3 =	rddreg [dreg:$0x0]  }
0x2: {  	s4 =	rddreg [dreg:$0x1];
	s1 =	srdreg.scid  }
0x3: {  	s6 =	rddreg [dreg:$0x2];
	s0 =	stileid.u32;
	s31 =	sand.u32 $0x1, s1  }
0x4: {  	s8 =	rddreg [dreg:$0x3];
	s5 =	sshll.u32 s0, $0x8;
	s7 =	sshll.u32 s31, $0x7  }
0x5: {  	s10 =	rddreg [dreg:$0x4];
	s2 =	simm.s32 $0x0;
	s25 =	sor.u32 s7, s5  }
0x6: {  	[smem:$0x7FF] =	sst s2;
	s11 =	sshrl.u32 s25, $0x3  }
0x7: {  	s24 =	rddreg [dreg:$0x5];
	_ =	strace $0x8000004A;
	s3 =	sadd.s32 s3, s11  }
0x8: {  	[tilespmem:s2], [sflag:$0x1] =	stream.linear.gather [hbm4b:s3+s2], $0x80, $0x38;
	[tilespmem:$0x14400] =	vst v63  }
0x9: {  	s5 =	simm.s32 $0x80;
	s4 =	sadd.s32 s4, s11  }
0xa: {  	[tilespmem:s5], [sflag:$0x1] =	stream.linear.gather [hbm4b:s4+s2], $0x80, $0x38;
	[tilespmem:$0x14400] =	vst v63  }
0xb: {  	s7 =	simm.s32 $0x100;
	s6 =	sadd.s32 s6, s11  }
0xc: {  	[tilespmem:s7], [sflag:$0x1] =	stream.linear.gather [hbm4b:s6+s2], $0x80, $0x38;
	[tilespmem:$0x14400] =	vst v63  }
0xd: {  	s9 =	simm.s32 $0x180;
	s8 =	sadd.s32 s8, s11  }
0xe: {  	[tilespmem:s9], [sflag:$0x1] =	stream.linear.gather [hbm4b:s8+s2], $0x80, $0x38;
	[tilespmem:$0x14400] =	vst v63  }
0xf: {  	s12 =	simm.s32 $0x1;
	s10 =	sadd.s32 s10, s11;
	s11 =	simm.s32 $0x200  }
0x10: {  	[tilespmem:s11], [sflag:$0x1] =	stream.linear.gather [hbm4b:s10+s2], $0x80, $0x38;
	[tilespmem:$0x14400] =	vst v63  }
0x11: {  	_ =	swait.ge [sflag:s12], $0x80  }
0x12: {  	[sflag:s12] =	ssyncset.done $0x0  }
0x13: {  	[sflag:s12] =	ssyncadd.s32 $0xFFFFFF80  }
0x14: {  	_ =	swait.ge [sflag:s12], $0x80  }
0x15: {  	[sflag:s12] =	ssyncset.done $0x0  }
0x16: {  	[sflag:s12] =	ssyncadd.s32 $0xFFFFFF80  }
0x17: {  	_ =	swait.ge [sflag:s12], $0x80  }
0x18: {  	[sflag:s12] =	ssyncset.done $0x0  }
0x19: {  	[sflag:s12] =	ssyncadd.s32 $0xFFFFFF80  }
0x1a: {  	_ =	swait.ge [sflag:s12], $0x80  }
0x1b: {  	[sflag:s12] =	ssyncset.done $0x0  }
0x1c: {  	[sflag:s12] =	ssyncadd.s32 $0xFFFFFF80  }
0x1d: {  	_ =	swait.ge [sflag:s12], $0x80  }
0x1e: {  	[sflag:s12] =	ssyncset.done $0x0  }
0x1f: {  	s14 =	simm.s32 $0x400;
	s13 =	sadd.s32 $0x7B1800, s24;
	[sflag:s12] =	ssyncadd.s32 $0xFFFFFF80  }
0x20: {  	[tilespmem:s14], [sflag:$0x2] =	stream.indirect.gather [hbm4b:s13+s5], $0x80, s2, s5, $0xb8;
	[tilespmem:$0x14400] =	vst v63  }
0x21: {  	s16 =	simm.s32 $0x4400;
	s15 =	sadd.s32 $0x4A4400, s24  }
0x22: {  	[tilespmem:s16], [sflag:$0x2] =	stream.indirect.gather [hbm4b:s15+s5], $0x80, s5, s5, $0xb8;
	[tilespmem:$0x14400] =	vst v63  }
0x23: {  	s18 =	simm.s32 $0x8400;
	s17 =	sadd.s32 $0x62AE00, s24  }
0x24: {  	[tilespmem:s18], [sflag:$0x2] =	stream.indirect.gather [hbm4b:s17+s5], $0x80, s7, s5, $0xb8;
	[tilespmem:$0x14400] =	vst v63  }
0x25: {  	s20 =	simm.s32 $0xC400;
	s19 =	sadd.s32 $0x1D600, s24  }
0x26: {  	[tilespmem:s20], [sflag:$0x2] =	stream.indirect.gather [hbm4b:s19+s5], $0x80, s9, s5, $0xb8;
	[tilespmem:$0x14400] =	vst v63  }
0x27: {  	s22 =	simm.s32 $0x10400;
	s23 =	simm.s32 $0x2;
	s21 =	sadd.s32 $0x21600, s24  }
0x28: {  	[tilespmem:s22], [sflag:$0x2] =	stream.indirect.gather [hbm4b:s21+s5], $0x80, s11, s5, $0xb8;
	[tilespmem:$0x14400] =	vst v63  }
0x29: {  	_ =	swait.ge [sflag:s23], $0x4000  }
0x2a: {  	[sflag:s23] =	ssyncset.done $0x0  }
0x2b: {  	[sflag:s23] =	ssyncadd.s32 $0xFFFFC000  }
0x2c: {  	_ =	swait.ge [sflag:s23], $0x4000  }
0x2d: {  	[sflag:s23] =	ssyncset.done $0x0  }
0x2e: {  	[sflag:s23] =	ssyncadd.s32 $0xFFFFC000  }
0x2f: {  	_ =	swait.ge [sflag:s23], $0x4000  }
0x30: {  	[sflag:s23] =	ssyncset.done $0x0  }
0x31: {  	[sflag:s23] =	ssyncadd.s32 $0xFFFFC000  }
0x32: {  	_ =	swait.ge [sflag:s23], $0x4000  }
0x33: {  	[sflag:s23] =	ssyncset.done $0x0  }
0x34: {  	[sflag:s23] =	ssyncadd.s32 $0xFFFFC000  }
0x35: {  	s25 =	sshll.u32 s25, $0x4;
	_ =	swait.ge [sflag:s23], $0x4000  }
0x36: {  	s29 =	sadd.s32 s25, s24;
	[sflag:s23] =	ssyncset.done $0x0  }
0x37: {  	s24 =	sadd.s32 $0x25600, s29;
	[sflag:s23] =	ssyncadd.s32 $0xFFFFC000  }
0x38: {  	[hbm4b:s24+s2] =	stream.linear.scatter [tilespmem:s14], [sflag:$0x3], $0x4000, $0x38;
	[tilespmem:$0x14400] =	vst v63  }
0x39: {  	s25 =	sadd.s32 $0x35600, s29  }
0x3a: {  	[hbm4b:s25+s2] =	stream.linear.scatter [tilespmem:s16], [sflag:$0x3], $0x4000, $0x38;
	[tilespmem:$0x14400] =	vst v63  }
0x3b: {  	s26 =	sadd.s32 $0x45600, s29  }
0x3c: {  	[hbm4b:s26+s2] =	stream.linear.scatter [tilespmem:s18], [sflag:$0x3], $0x4000, $0x38;
	[tilespmem:$0x14400] =	vst v63  }
0x3d: {  	s28 =	sadd.s32 $0x55600, s29  }
0x3e: {  	[hbm4b:s28+s2] =	stream.linear.scatter [tilespmem:s20], [sflag:$0x3], $0x4000, $0x38;
	[tilespmem:$0x14400] =	vst v63  }
0x3f: {  	s30 =	simm.s32 $0x3;
	s29 =	sadd.s32 $0x65600, s29  }
0x40: {  	[hbm4b:s29+s2] =	stream.linear.scatter [tilespmem:s22], [sflag:$0x3], $0x4000, $0x38;
	[tilespmem:$0x14400] =	vst v63  }
0x41: {  	_ =	swait.ge [sflag:s30], $0x4000  }
0x42: {  	[sflag:s30] =	ssyncset.done $0x0  }
0x43: {  	[sflag:s30] =	ssyncadd.s32 $0xFFFFC000  }
0x44: {  	_ =	swait.ge [sflag:s30], $0x4000  }
0x45: {  	s31 =	ssub.s32 $0x2, s31;
	[sflag:s30] =	ssyncset.done $0x0  }
0x46: {  	s1 =	sshrl.u32 s31, $0x1;
	[sflag:s30] =	ssyncadd.s32 $0xFFFFC000  }
0x47: {  	s1 =	ssub.s32 s31, s1;
	_ =	swait.ge [sflag:s30], $0x4000  }
0x48: {  	s1 =	smax.u32 s1, $0x1;
	[sflag:s30] =	ssyncset.done $0x0  }
0x49: {  	p0 =	sne.s32 s1, $0x1;
	[sflag:s30] =	ssyncadd.s32 $0xFFFFC000  }
.Ltmp0:
0x4a: {  	_ =	swait.ge [sflag:s30], $0x4000;
	(pc) =	sbr.rel @!p0 .LBB2_2-.Ltmp0, $4  }
0x4b: {  	[sflag:s30] =	ssyncset.done $0x0  }
0x4c: {  	[sflag:s30] =	ssyncadd.s32 $0xFFFFC000  }
0x4d: {  	_ =	swait.ge [sflag:s30], $0x4000  }
0x4e: {  	s31 =	sadd.s32 $0xFFFFFFFF, s1;
	[sflag:s30] =	ssyncset.done $0x0  }
.LBB2_1:
0x4f: {  	p0 =	sne.s32 s31, $0x1;
	s31 =	sadd.s32 $0xFFFFFFFF, s31;
	[sflag:s30] =	ssyncadd.s32 $0xFFFFC000  }
0x50: {  	[tilespmem:s2], [sflag:$0x1] =	stream.linear.gather [hbm4b:s3+s2], $0x80, $0x38;
	[tilespmem:$0x14400] =	vst v63  }
0x51: {  	_ = 	snop  }
0x52: {  	[tilespmem:s5], [sflag:$0x1] =	stream.linear.gather [hbm4b:s4+s2], $0x80, $0x38;
	[tilespmem:$0x14400] =	vst v63  }
0x53: {  	_ = 	snop  }
0x54: {  	[tilespmem:s7], [sflag:$0x1] =	stream.linear.gather [hbm4b:s6+s2], $0x80, $0x38;
	[tilespmem:$0x14400] =	vst v63  }
0x55: {  	_ = 	snop  }
0x56: {  	[tilespmem:s9], [sflag:$0x1] =	stream.linear.gather [hbm4b:s8+s2], $0x80, $0x38;
	[tilespmem:$0x14400] =	vst v63  }
0x57: {  	_ = 	snop  }
0x58: {  	[tilespmem:s11], [sflag:$0x1] =	stream.linear.gather [hbm4b:s10+s2], $0x80, $0x38;
	[tilespmem:$0x14400] =	vst v63  }
0x59: {  	_ =	swait.ge [sflag:s12], $0x80  }
0x5a: {  	[sflag:s12] =	ssyncset.done $0x0  }
0x5b: {  	[sflag:s12] =	ssyncadd.s32 $0xFFFFFF80  }
0x5c: {  	_ =	swait.ge [sflag:s12], $0x80  }
0x5d: {  	[sflag:s12] =	ssyncset.done $0x0  }
0x5e: {  	[sflag:s12] =	ssyncadd.s32 $0xFFFFFF80  }
0x5f: {  	_ =	swait.ge [sflag:s12], $0x80  }
0x60: {  	[sflag:s12] =	ssyncset.done $0x0  }
0x61: {  	[sflag:s12] =	ssyncadd.s32 $0xFFFFFF80  }
0x62: {  	_ =	swait.ge [sflag:s12], $0x80  }
0x63: {  	[sflag:s12] =	ssyncset.done $0x0  }
0x64: {  	[sflag:s12] =	ssyncadd.s32 $0xFFFFFF80  }
0x65: {  	_ =	swait.ge [sflag:s12], $0x80  }
0x66: {  	[sflag:s12] =	ssyncset.done $0x0  }
0x67: {  	[sflag:s12] =	ssyncadd.s32 $0xFFFFFF80  }
0x68: {  	[tilespmem:s14], [sflag:$0x2] =	stream.indirect.gather [hbm4b:s13+s5], $0x80, s2, s5, $0xb8;
	[tilespmem:$0x14400] =	vst v63  }
0x69: {  	_ = 	snop  }
0x6a: {  	[tilespmem:s16], [sflag:$0x2] =	stream.indirect.gather [hbm4b:s15+s5], $0x80, s5, s5, $0xb8;
	[tilespmem:$0x14400] =	vst v63  }
0x6b: {  	_ = 	snop  }
0x6c: {  	[tilespmem:s18], [sflag:$0x2] =	stream.indirect.gather [hbm4b:s17+s5], $0x80, s7, s5, $0xb8;
	[tilespmem:$0x14400] =	vst v63  }
0x6d: {  	_ = 	snop  }
0x6e: {  	[tilespmem:s20], [sflag:$0x2] =	stream.indirect.gather [hbm4b:s19+s5], $0x80, s9, s5, $0xb8;
	[tilespmem:$0x14400] =	vst v63  }
0x6f: {  	_ = 	snop  }
0x70: {  	[tilespmem:s22], [sflag:$0x2] =	stream.indirect.gather [hbm4b:s21+s5], $0x80, s11, s5, $0xb8;
	[tilespmem:$0x14400] =	vst v63  }
0x71: {  	_ =	swait.ge [sflag:s23], $0x4000  }
0x72: {  	[sflag:s23] =	ssyncset.done $0x0  }
0x73: {  	[sflag:s23] =	ssyncadd.s32 $0xFFFFC000  }
0x74: {  	_ =	swait.ge [sflag:s23], $0x4000  }
0x75: {  	[sflag:s23] =	ssyncset.done $0x0  }
0x76: {  	[sflag:s23] =	ssyncadd.s32 $0xFFFFC000  }
0x77: {  	_ =	swait.ge [sflag:s23], $0x4000  }
0x78: {  	[sflag:s23] =	ssyncset.done $0x0  }
0x79: {  	[sflag:s23] =	ssyncadd.s32 $0xFFFFC000  }
0x7a: {  	_ =	swait.ge [sflag:s23], $0x4000  }
0x7b: {  	[sflag:s23] =	ssyncset.done $0x0  }
0x7c: {  	[sflag:s23] =	ssyncadd.s32 $0xFFFFC000  }
0x7d: {  	_ =	swait.ge [sflag:s23], $0x4000  }
0x7e: {  	[sflag:s23] =	ssyncset.done $0x0  }
0x7f: {  	[sflag:s23] =	ssyncadd.s32 $0xFFFFC000  }
0x80: {  	[hbm4b:s24+s2] =	stream.linear.scatter [tilespmem:s14], [sflag:$0x3], $0x4000, $0x38;
	[tilespmem:$0x14400] =	vst v63  }
0x81: {  	_ = 	snop  }
0x82: {  	[hbm4b:s25+s2] =	stream.linear.scatter [tilespmem:s16], [sflag:$0x3], $0x4000, $0x38;
	[tilespmem:$0x14400] =	vst v63  }
0x83: {  	_ = 	snop  }
0x84: {  	[hbm4b:s26+s2] =	stream.linear.scatter [tilespmem:s18], [sflag:$0x3], $0x4000, $0x38;
	[tilespmem:$0x14400] =	vst v63  }
0x85: {  	_ = 	snop  }
0x86: {  	[hbm4b:s28+s2] =	stream.linear.scatter [tilespmem:s20], [sflag:$0x3], $0x4000, $0x38;
	[tilespmem:$0x14400] =	vst v63  }
0x87: {  	_ = 	snop  }
0x88: {  	[hbm4b:s29+s2] =	stream.linear.scatter [tilespmem:s22], [sflag:$0x3], $0x4000, $0x38;
	[tilespmem:$0x14400] =	vst v63  }
0x89: {  	_ =	swait.ge [sflag:s30], $0x4000  }
0x8a: {  	[sflag:s30] =	ssyncset.done $0x0  }
0x8b: {  	[sflag:s30] =	ssyncadd.s32 $0xFFFFC000  }
0x8c: {  	_ =	swait.ge [sflag:s30], $0x4000  }
0x8d: {  	[sflag:s30] =	ssyncset.done $0x0  }
0x8e: {  	[sflag:s30] =	ssyncadd.s32 $0xFFFFC000  }
0x8f: {  	_ =	swait.ge [sflag:s30], $0x4000  }
0x90: {  	[sflag:s30] =	ssyncset.done $0x0  }
0x91: {  	[sflag:s30] =	ssyncadd.s32 $0xFFFFC000  }
.Ltmp1:
0x92: {  	_ =	swait.ge [sflag:s30], $0x4000;
	(pc) =	sbr.rel @p0 .LBB2_1-.Ltmp1, $4  }
0x93: {  	[sflag:s30] =	ssyncset.done $0x0  }
0x94: {  	[sflag:s30] =	ssyncadd.s32 $0xFFFFC000  }
0x95: {  	_ =	swait.ge [sflag:s30], $0x4000  }
0x96: {  	[sflag:s30] =	ssyncset.done $0x0  }
.LBB2_2:
0x97: {  	[sflag:s30] =	ssyncadd.s32 $0xFFFFC000  }
0x98: {  	_ =	sfence.sel $0x180000  }
0x99: {  	[bflag:$0x0] =	sbarrier.arrive $0xFFFF  }
0x9a: {  	_ =	strace $0x9000004A  }
0x9b: {  	[bflag:$0x2] =	sbarrier.arrive $0xFFFF  }
0x9c: {  	p0 =	sne.s32 s0, $0x0;
	s0 =	rddreg [dreg:$0x6]  }
0x9d: {  	s0 =	sadd.s32 @!p0 $0x100000, s0  }
0x9e: {  	[sflag:s0] =	ssyncadd.tile.s32 @!p0 $0x1;
	_ =	shalt  }
.Lfunc_end2:
_tile_overlayer_lowered:
.L_overlay_start_2:
0x9f: {  	(tag) =	ssettag $0x2  }
0xa0: {  	s0 =	rddreg [dreg:$0x0];
	s2 =	stileid.u32  }
0xa1: {  	s1 =	rddreg [dreg:$0x1];
	p0 =	sne.s32 s2, $0x0  }
0xa2: {  	s3 =	rddreg [dreg:$0x2];
	[bflag:$0x3] =	sbarrier.arrive $0xFFFF;
	s2 =	simm.s32 @!p0 $0x1C04  }
0xa3: {  	[timem:s3], [sflag:s2] =	dma.local @!p0 [hbm:s0], s1  }
0xa4: {  	s0 =	simm.s32 @!p0 $0x4  }
0xa5: {  	_ =	swait.ge @!p0 [sflag:s0], s1  }
0xa6: {  	s1 =	ssub.s32 @!p0 $0x0, s1;
	[sflag:s0] =	ssyncset.done @!p0 $0x0  }
0xa7: {  	[sflag:s0] =	ssyncadd.s32 @!p0 s1  }
0xa8: {  	[bflag:$0x3] =	sbarrier.arrive $0xFFFF  }
0xa9: {  	_ =	shalt  }

</sc_bundles>
